<compile_context>
chip_gen: v7x
topology: tpu7x:2x2x1
jax: 0.10.2.dev20260603
libtpu: 0.0.44.dev20260713+nightly
codegen_flags: <defaults>
</compile_context>

<pallas_src>
import functools

import jax
import jax.numpy as jnp
from jax import lax
from jax.experimental import pallas as pl
from jax.experimental.pallas import tpu as pltpu
from jax.experimental.pallas import tpu_sc as plsc

_B, _N, _C = 64, 2304, 1024
_HID = 256
_K = 256
_NCHUNK = 256
_NBLK = _N // _NCHUNK


def _score_topk_kernel(x_ref, w1_ref, b1_ref, w2_ref, idx_ref, s_col, s_row):
    b = pl.program_id(0)
    n = pl.program_id(1)

    x = x_ref[0].astype(jnp.bfloat16)
    acc = jnp.dot(
        x, w1_ref[...].astype(jnp.bfloat16), preferred_element_type=jnp.float32
    )
    h = jnp.maximum(acc + b1_ref[...], 0.0)
    s_t = lax.dot_general(
        w2_ref[...].astype(jnp.bfloat16),
        jnp.swapaxes(h, 0, 1).astype(jnp.bfloat16),
        (((0,), (0,)), ((), ())),
        preferred_element_type=jnp.float32,
    )

    s_col[pl.ds(n * _NCHUNK, _NCHUNK), :] = jnp.swapaxes(s_t, 0, 1)
    s_row[:, pl.ds(n * _NCHUNK, _NCHUNK)] = s_t

    @pl.when(n == _NBLK - 1)
    def _rank_and_select():
        srow = s_row[...]
        j_iota = lax.broadcasted_iota(jnp.int32, (1, _N), 1)
        r_iota = lax.broadcasted_iota(jnp.int32, (1, _K), 1)
        acc = jnp.zeros((1, _K), dtype=jnp.int32)
        for c in range(_NBLK):
            s_i = s_col[pl.ds(c * _NCHUNK, _NCHUNK), :]
            i_iota = (
                lax.broadcasted_iota(jnp.int32, (_NCHUNK, 1), 0) + c * _NCHUNK
            )
            beats = (srow > s_i) | ((srow == s_i) & (j_iota < i_iota))
            rank = jnp.sum(beats.astype(jnp.int32), axis=1, keepdims=True)
            onehot = rank == r_iota
            sel = jnp.where(onehot, jnp.broadcast_to(i_iota, (_NCHUNK, _K)), 0)
            acc += jnp.sum(sel, axis=0, keepdims=True)
        idx_ref[...] = (acc + b * _N).reshape(1, 1, _K)


def _score_topk(x, w1, b1, w2):
    return pl.pallas_call(
        _score_topk_kernel,
        grid=(_B, _NBLK),
        in_specs=[
            pl.BlockSpec((1, _NCHUNK, _C), lambda b, n: (b, n, 0)),
            pl.BlockSpec((_C, _HID), lambda b, n: (0, 0)),
            pl.BlockSpec((1, _HID), lambda b, n: (0, 0)),
            pl.BlockSpec((_HID, 1), lambda b, n: (0, 0)),
        ],
        out_specs=pl.BlockSpec((1, 1, _K), lambda b, n: (b, 0, 0)),
        out_shape=jax.ShapeDtypeStruct((_B, 1, _K), jnp.int32),
        scratch_shapes=[
            pltpu.VMEM((_N, 1), jnp.float32),
            pltpu.VMEM((1, _N), jnp.float32),
        ],
    )(x, w1, b1, w2)


_R = _B * _K
_NW = 32
_ROWS_PER_W = _R // _NW
_GCHUNK = 64
_NGCH = _ROWS_PER_W // _GCHUNK


def _make_gather():
    mesh = plsc.VectorSubcoreMesh(core_axis_name="c", subcore_axis_name="s")

    @functools.partial(
        pl.kernel,
        mesh=mesh,
        out_type=jax.ShapeDtypeStruct((_R, _C), jnp.float32),
        scratch_types=[
            pltpu.VMEM((_GCHUNK,), jnp.int32),
            pltpu.VMEM((_GCHUNK, _C), jnp.float32),
            pltpu.SemaphoreType.DMA,
        ],
    )
    def _gather(x_hbm, idx_hbm, out_hbm, idx_v, rows_v, sem):
        wid = lax.axis_index("s") * 2 + lax.axis_index("c")
        base = wid * _ROWS_PER_W
        for ch in range(_NGCH):
            off = base + ch * _GCHUNK
            pltpu.sync_copy(idx_hbm.at[pl.ds(off, _GCHUNK)], idx_v)
            pltpu.async_copy(x_hbm.at[idx_v], rows_v, sem).wait()
            pltpu.sync_copy(rows_v, out_hbm.at[pl.ds(off, _GCHUNK)])

    return _gather


def kernel(vit_features, W1, b1, W2, b2):
    del b2
    idx = _score_topk(vit_features, W1, b1.reshape(1, _HID), W2)
    flat_idx = idx.reshape(_R)
    table = vit_features.reshape(_B * _N, _C)
    rows = _make_gather()(table, flat_idx)
    return rows.reshape(_B, _K, _C)

# --- scband reference (transcript-rebuilt; emitter-appended) ---
"""Pipeline reference for scband-dynamic-vi-tcompressor-44263932953237 (READ-ONLY COPY).

The authoritative reference and input builder live on the scoring server;
editing this copy changes nothing except your own understanding.
"""

import jax, jax.numpy as jnp
import numpy as np

B, N, C = 64, 2304, 1024
HID = 256
TARGET_TOKENS = 256

def setup_inputs(seed: int = 0) -> dict:
    key = jax.random.key(seed)
    k1, k2, k3, k4, k5 = jax.random.split(key, 5)
    vit_features = jax.random.normal(k1, (B, N, C), dtype=jnp.float32)
    # score_net params: Linear(1024->256), ReLU, Linear(256->1)
    W1 = jax.random.normal(k2, (C, HID), dtype=jnp.float32) * (1.0 / np.sqrt(C))
    b1 = jnp.zeros((HID,), dtype=jnp.float32)
    W2 = jax.random.normal(k3, (HID, 1), dtype=jnp.float32) * (1.0 / np.sqrt(HID))
    b2 = jnp.zeros((1,), dtype=jnp.float32)
    return {"vit_features": vit_features, "W1": W1, "b1": b1, "W2": W2, "b2": b2}

def reference(vit_features, W1, b1, W2, b2):
    # scores = score_net(vit_features).squeeze(-1)
    h = jnp.maximum(vit_features @ W1 + b1, 0.0)
    scores = (h @ W2 + b2)[..., 0]  # [B, N]
    k = min(TARGET_TOKENS, scores.shape[1])
    _, topk_indices = jax.lax.top_k(scores, k)  # [B, k]
    # gather: vit_features[batch_indices, topk_indices]
    compressed = jnp.take_along_axis(vit_features, topk_indices[:, :, None], axis=1)  # [B, k, C]
    return compressed

if __name__ == "__main__":
    import jax
    _d = setup_inputs()
    print(jax.jit(kernel)(*tuple(_d.values())))

</pallas_src>

<mosaic_0001>
#map = affine_map<(d0, d1) -> (0, 0)>
#map1 = affine_map<(d0, d1) -> (0)>
module attributes {stable_mosaic.version = 14 : i64} {
  func.func @_gather(%arg0: i32, %arg1: i32, %arg2: memref<147456x1024xf32, #tpu.memory_space<hbm>>, %arg3: memref<16384xi32, #tpu.memory_space<hbm>>, %arg4: memref<16384x1024xf32, #tpu.memory_space<hbm>>, %arg5: memref<64xi32, #tpu.memory_space<vmem>>, %arg6: memref<64x1024xf32, #tpu.memory_space<vmem>>, %arg7: memref<!tpu.dma_semaphore, #tpu.memory_space<semaphore_mem>>) attributes {dimension_semantics = [#tpu.dimension_semantics<core_parallel>, #tpu.dimension_semantics<subcore_parallel>], iteration_bounds = array<i64: 2, 16>, scalar_prefetch = 0 : i64, scratch_operands = 3 : i64, tpu.core_type = #tpu.core_type<sc_vector_subcore>, window_params = [{transform_indices = #map}, {transform_indices = #map1}, {transform_indices = #map}]} {
    %mul3A = arith.constant 2 : i32
    %mul3A_0 = arith.muli %arg1, %mul3A : i32
    %add3A = arith.addi %mul3A_0, %arg0 : i32
    %mul3A_1 = arith.constant 512 : i32
    %mul3A_2 = arith.muli %add3A, %mul3A_1 : i32
    %add3A_3 = arith.constant 0 : i32
    %add3A_4 = arith.addi %mul3A_2, %add3A_3 : i32
    "tpu.region"() ({
      %run_scoped3A = tpu.sem_alloc : memref<!tpu.dma_semaphore, #tpu.memory_space<semaphore_mem>>
      %dma_start3A_65 = tpu.memref_slice %arg3[%add3A_4] : memref<16384xi32, #tpu.memory_space<hbm>> -> memref<64xi32, #tpu.memory_space<hbm>>
      %dma_start3A_66 = tpu.memref_slice %arg3[%add3A_4] : memref<16384xi32, #tpu.memory_space<hbm>> -> memref<64xi32, #tpu.memory_space<hbm>>
      tpu.enqueue_dma source(%dma_start3A_66 : memref<64xi32, #tpu.memory_space<hbm>>) target(%arg5 : memref<64xi32, #tpu.memory_space<vmem>>) target_semaphore(%run_scoped3A : memref<!tpu.dma_semaphore, #tpu.memory_space<semaphore_mem>>)
      %dma_wait3A_67 = tpu.memref_slice %arg3[%add3A_4] : memref<16384xi32, #tpu.memory_space<hbm>> -> memref<64xi32, #tpu.memory_space<hbm>>
      %dma_wait3A_68 = tpu.memref_slice %arg3[%add3A_4] : memref<16384xi32, #tpu.memory_space<hbm>> -> memref<64xi32, #tpu.memory_space<hbm>>
      tpu.wait_dma2 semaphore(%run_scoped3A : memref<!tpu.dma_semaphore, #tpu.memory_space<semaphore_mem>>) src(%dma_wait3A_68 : memref<64xi32, #tpu.memory_space<hbm>>) dst(%arg5 : memref<64xi32, #tpu.memory_space<vmem>>)
      tpu.yield
    }) : () -> ()
    %dma_start3A = arith.constant 0 : i32
    %dma_start3A_5 = arith.constant 0 : i32
    %dma_start3A_6 = tpu.memref_slice %arg2[%dma_start3A, %dma_start3A_5] : memref<147456x1024xf32, #tpu.memory_space<hbm>> -> memref<147456x1024xf32, #tpu.memory_space<hbm>>
    tpu.enqueue_indirect_dma source(%dma_start3A_6 : memref<147456x1024xf32, #tpu.memory_space<hbm>>) target(%arg6 : memref<64x1024xf32, #tpu.memory_space<vmem>>) offsets(%arg5 : memref<64xi32, #tpu.memory_space<vmem>>) semaphore(%arg7 : memref<!tpu.dma_semaphore, #tpu.memory_space<semaphore_mem>>)
    %dma_wait3A = arith.constant 0 : i32
    %dma_wait3A_7 = arith.constant 0 : i32
    %dma_wait3A_8 = tpu.memref_slice %arg2[%dma_wait3A, %dma_wait3A_7] : memref<147456x1024xf32, #tpu.memory_space<hbm>> -> memref<147456x1024xf32, #tpu.memory_space<hbm>>
    tpu.wait_indirect_dma semaphore(%arg7 : memref<!tpu.dma_semaphore, #tpu.memory_space<semaphore_mem>>) src(%dma_wait3A_8 : memref<147456x1024xf32, #tpu.memory_space<hbm>>) dst(%arg6 : memref<64x1024xf32, #tpu.memory_space<vmem>>)
    "tpu.region"() ({
      %run_scoped3A = tpu.sem_alloc : memref<!tpu.dma_semaphore, #tpu.memory_space<semaphore_mem>>
      %dma_start3A_65 = arith.constant 0 : i32
      %dma_start3A_66 = tpu.memref_slice %arg4[%add3A_4, %dma_start3A_65] : memref<16384x1024xf32, #tpu.memory_space<hbm>> -> memref<64x1024xf32, #tpu.memory_space<hbm>>
      %dma_start3A_67 = arith.constant 0 : i32
      %dma_start3A_68 = tpu.memref_slice %arg4[%add3A_4, %dma_start3A_67] : memref<16384x1024xf32, #tpu.memory_space<hbm>> -> memref<64x1024xf32, #tpu.memory_space<hbm>>
      tpu.enqueue_dma source(%arg6 : memref<64x1024xf32, #tpu.memory_space<vmem>>) target(%dma_start3A_68 : memref<64x1024xf32, #tpu.memory_space<hbm>>) target_semaphore(%run_scoped3A : memref<!tpu.dma_semaphore, #tpu.memory_space<semaphore_mem>>)
      %dma_wait3A_69 = arith.constant 0 : i32
      %dma_wait3A_70 = tpu.memref_slice %arg4[%add3A_4, %dma_wait3A_69] : memref<16384x1024xf32, #tpu.memory_space<hbm>> -> memref<64x1024xf32, #tpu.memory_space<hbm>>
      %dma_wait3A_71 = arith.constant 0 : i32
      %dma_wait3A_72 = tpu.memref_slice %arg4[%add3A_4, %dma_wait3A_71] : memref<16384x1024xf32, #tpu.memory_space<hbm>> -> memref<64x1024xf32, #tpu.memory_space<hbm>>
      tpu.wait_dma2 semaphore(%run_scoped3A : memref<!tpu.dma_semaphore, #tpu.memory_space<semaphore_mem>>) src(%arg6 : memref<64x1024xf32, #tpu.memory_space<vmem>>) dst(%dma_wait3A_72 : memref<64x1024xf32, #tpu.memory_space<hbm>>)
      tpu.yield
    }) : () -> ()
    %add3A_9 = arith.constant 64 : i32
    %add3A_10 = arith.addi %mul3A_2, %add3A_9 : i32
    "tpu.region"() ({
      %run_scoped3A = tpu.sem_alloc : memref<!tpu.dma_semaphore, #tpu.memory_space<semaphore_mem>>
      %dma_start3A_65 = tpu.memref_slice %arg3[%add3A_10] : memref<16384xi32, #tpu.memory_space<hbm>> -> memref<64xi32, #tpu.memory_space<hbm>>
      %dma_start3A_66 = tpu.memref_slice %arg3[%add3A_10] : memref<16384xi32, #tpu.memory_space<hbm>> -> memref<64xi32, #tpu.memory_space<hbm>>
      tpu.enqueue_dma source(%dma_start3A_66 : memref<64xi32, #tpu.memory_space<hbm>>) target(%arg5 : memref<64xi32, #tpu.memory_space<vmem>>) target_semaphore(%run_scoped3A : memref<!tpu.dma_semaphore, #tpu.memory_space<semaphore_mem>>)
      %dma_wait3A_67 = tpu.memref_slice %arg3[%add3A_10] : memref<16384xi32, #tpu.memory_space<hbm>> -> memref<64xi32, #tpu.memory_space<hbm>>
      %dma_wait3A_68 = tpu.memref_slice %arg3[%add3A_10] : memref<16384xi32, #tpu.memory_space<hbm>> -> memref<64xi32, #tpu.memory_space<hbm>>
      tpu.wait_dma2 semaphore(%run_scoped3A : memref<!tpu.dma_semaphore, #tpu.memory_space<semaphore_mem>>) src(%dma_wait3A_68 : memref<64xi32, #tpu.memory_space<hbm>>) dst(%arg5 : memref<64xi32, #tpu.memory_space<vmem>>)
      tpu.yield
    }) : () -> ()
    %dma_start3A_11 = arith.constant 0 : i32
    %dma_start3A_12 = arith.constant 0 : i32
    %dma_start3A_13 = tpu.memref_slice %arg2[%dma_start3A_11, %dma_start3A_12] : memref<147456x1024xf32, #tpu.memory_space<hbm>> -> memref<147456x1024xf32, #tpu.memory_space<hbm>>
    tpu.enqueue_indirect_dma source(%dma_start3A_13 : memref<147456x1024xf32, #tpu.memory_space<hbm>>) target(%arg6 : memref<64x1024xf32, #tpu.memory_space<vmem>>) offsets(%arg5 : memref<64xi32, #tpu.memory_space<vmem>>) semaphore(%arg7 : memref<!tpu.dma_semaphore, #tpu.memory_space<semaphore_mem>>)
    %dma_wait3A_14 = arith.constant 0 : i32
    %dma_wait3A_15 = arith.constant 0 : i32
    %dma_wait3A_16 = tpu.memref_slice %arg2[%dma_wait3A_14, %dma_wait3A_15] : memref<147456x1024xf32, #tpu.memory_space<hbm>> -> memref<147456x1024xf32, #tpu.memory_space<hbm>>
    tpu.wait_indirect_dma semaphore(%arg7 : memref<!tpu.dma_semaphore, #tpu.memory_space<semaphore_mem>>) src(%dma_wait3A_16 : memref<147456x1024xf32, #tpu.memory_space<hbm>>) dst(%arg6 : memref<64x1024xf32, #tpu.memory_space<vmem>>)
    "tpu.region"() ({
      %run_scoped3A = tpu.sem_alloc : memref<!tpu.dma_semaphore, #tpu.memory_space<semaphore_mem>>
      %dma_start3A_65 = arith.constant 0 : i32
      %dma_start3A_66 = tpu.memref_slice %arg4[%add3A_10, %dma_start3A_65] : memref<16384x1024xf32, #tpu.memory_space<hbm>> -> memref<64x1024xf32, #tpu.memory_space<hbm>>
      %dma_start3A_67 = arith.constant 0 : i32
      %dma_start3A_68 = tpu.memref_slice %arg4[%add3A_10, %dma_start3A_67] : memref<16384x1024xf32, #tpu.memory_space<hbm>> -> memref<64x1024xf32, #tpu.memory_space<hbm>>
      tpu.enqueue_dma source(%arg6 : memref<64x1024xf32, #tpu.memory_space<vmem>>) target(%dma_start3A_68 : memref<64x1024xf32, #tpu.memory_space<hbm>>) target_semaphore(%run_scoped3A : memref<!tpu.dma_semaphore, #tpu.memory_space<semaphore_mem>>)
      %dma_wait3A_69 = arith.constant 0 : i32
      %dma_wait3A_70 = tpu.memref_slice %arg4[%add3A_10, %dma_wait3A_69] : memref<16384x1024xf32, #tpu.memory_space<hbm>> -> memref<64x1024xf32, #tpu.memory_space<hbm>>
      %dma_wait3A_71 = arith.constant 0 : i32
      %dma_wait3A_72 = tpu.memref_slice %arg4[%add3A_10, %dma_wait3A_71] : memref<16384x1024xf32, #tpu.memory_space<hbm>> -> memref<64x1024xf32, #tpu.memory_space<hbm>>
      tpu.wait_dma2 semaphore(%run_scoped3A : memref<!tpu.dma_semaphore, #tpu.memory_space<semaphore_mem>>) src(%arg6 : memref<64x1024xf32, #tpu.memory_space<vmem>>) dst(%dma_wait3A_72 : memref<64x1024xf32, #tpu.memory_space<hbm>>)
      tpu.yield
    }) : () -> ()
    %add3A_17 = arith.constant 128 : i32
    %add3A_18 = arith.addi %mul3A_2, %add3A_17 : i32
    "tpu.region"() ({
      %run_scoped3A = tpu.sem_alloc : memref<!tpu.dma_semaphore, #tpu.memory_space<semaphore_mem>>
      %dma_start3A_65 = tpu.memref_slice %arg3[%add3A_18] : memref<16384xi32, #tpu.memory_space<hbm>> -> memref<64xi32, #tpu.memory_space<hbm>>
      %dma_start3A_66 = tpu.memref_slice %arg3[%add3A_18] : memref<16384xi32, #tpu.memory_space<hbm>> -> memref<64xi32, #tpu.memory_space<hbm>>
      tpu.enqueue_dma source(%dma_start3A_66 : memref<64xi32, #tpu.memory_space<hbm>>) target(%arg5 : memref<64xi32, #tpu.memory_space<vmem>>) target_semaphore(%run_scoped3A : memref<!tpu.dma_semaphore, #tpu.memory_space<semaphore_mem>>)
      %dma_wait3A_67 = tpu.memref_slice %arg3[%add3A_18] : memref<16384xi32, #tpu.memory_space<hbm>> -> memref<64xi32, #tpu.memory_space<hbm>>
      %dma_wait3A_68 = tpu.memref_slice %arg3[%add3A_18] : memref<16384xi32, #tpu.memory_space<hbm>> -> memref<64xi32, #tpu.memory_space<hbm>>
      tpu.wait_dma2 semaphore(%run_scoped3A : memref<!tpu.dma_semaphore, #tpu.memory_space<semaphore_mem>>) src(%dma_wait3A_68 : memref<64xi32, #tpu.memory_space<hbm>>) dst(%arg5 : memref<64xi32, #tpu.memory_space<vmem>>)
      tpu.yield
    }) : () -> ()
    %dma_start3A_19 = arith.constant 0 : i32
    %dma_start3A_20 = arith.constant 0 : i32
    %dma_start3A_21 = tpu.memref_slice %arg2[%dma_start3A_19, %dma_start3A_20] : memref<147456x1024xf32, #tpu.memory_space<hbm>> -> memref<147456x1024xf32, #tpu.memory_space<hbm>>
    tpu.enqueue_indirect_dma source(%dma_start3A_21 : memref<147456x1024xf32, #tpu.memory_space<hbm>>) target(%arg6 : memref<64x1024xf32, #tpu.memory_space<vmem>>) offsets(%arg5 : memref<64xi32, #tpu.memory_space<vmem>>) semaphore(%arg7 : memref<!tpu.dma_semaphore, #tpu.memory_space<semaphore_mem>>)
    %dma_wait3A_22 = arith.constant 0 : i32
    %dma_wait3A_23 = arith.constant 0 : i32
    %dma_wait3A_24 = tpu.memref_slice %arg2[%dma_wait3A_22, %dma_wait3A_23] : memref<147456x1024xf32, #tpu.memory_space<hbm>> -> memref<147456x1024xf32, #tpu.memory_space<hbm>>
    tpu.wait_indirect_dma semaphore(%arg7 : memref<!tpu.dma_semaphore, #tpu.memory_space<semaphore_mem>>) src(%dma_wait3A_24 : memref<147456x1024xf32, #tpu.memory_space<hbm>>) dst(%arg6 : memref<64x1024xf32, #tpu.memory_space<vmem>>)
    "tpu.region"() ({
      %run_scoped3A = tpu.sem_alloc : memref<!tpu.dma_semaphore, #tpu.memory_space<semaphore_mem>>
      %dma_start3A_65 = arith.constant 0 : i32
      %dma_start3A_66 = tpu.memref_slice %arg4[%add3A_18, %dma_start3A_65] : memref<16384x1024xf32, #tpu.memory_space<hbm>> -> memref<64x1024xf32, #tpu.memory_space<hbm>>
      %dma_start3A_67 = arith.constant 0 : i32
      %dma_start3A_68 = tpu.memref_slice %arg4[%add3A_18, %dma_start3A_67] : memref<16384x1024xf32, #tpu.memory_space<hbm>> -> memref<64x1024xf32, #tpu.memory_space<hbm>>
      tpu.enqueue_dma source(%arg6 : memref<64x1024xf32, #tpu.memory_space<vmem>>) target(%dma_start3A_68 : memref<64x1024xf32, #tpu.memory_space<hbm>>) target_semaphore(%run_scoped3A : memref<!tpu.dma_semaphore, #tpu.memory_space<semaphore_mem>>)
      %dma_wait3A_69 = arith.constant 0 : i32
      %dma_wait3A_70 = tpu.memref_slice %arg4[%add3A_18, %dma_wait3A_69] : memref<16384x1024xf32, #tpu.memory_space<hbm>> -> memref<64x1024xf32, #tpu.memory_space<hbm>>
      %dma_wait3A_71 = arith.constant 0 : i32
      %dma_wait3A_72 = tpu.memref_slice %arg4[%add3A_18, %dma_wait3A_71] : memref<16384x1024xf32, #tpu.memory_space<hbm>> -> memref<64x1024xf32, #tpu.memory_space<hbm>>
      tpu.wait_dma2 semaphore(%run_scoped3A : memref<!tpu.dma_semaphore, #tpu.memory_space<semaphore_mem>>) src(%arg6 : memref<64x1024xf32, #tpu.memory_space<vmem>>) dst(%dma_wait3A_72 : memref<64x1024xf32, #tpu.memory_space<hbm>>)
      tpu.yield
    }) : () -> ()
    %add3A_25 = arith.constant 192 : i32
    %add3A_26 = arith.addi %mul3A_2, %add3A_25 : i32
    "tpu.region"() ({
      %run_scoped3A = tpu.sem_alloc : memref<!tpu.dma_semaphore, #tpu.memory_space<semaphore_mem>>
      %dma_start3A_65 = tpu.memref_slice %arg3[%add3A_26] : memref<16384xi32, #tpu.memory_space<hbm>> -> memref<64xi32, #tpu.memory_space<hbm>>
      %dma_start3A_66 = tpu.memref_slice %arg3[%add3A_26] : memref<16384xi32, #tpu.memory_space<hbm>> -> memref<64xi32, #tpu.memory_space<hbm>>
      tpu.enqueue_dma source(%dma_start3A_66 : memref<64xi32, #tpu.memory_space<hbm>>) target(%arg5 : memref<64xi32, #tpu.memory_space<vmem>>) target_semaphore(%run_scoped3A : memref<!tpu.dma_semaphore, #tpu.memory_space<semaphore_mem>>)
      %dma_wait3A_67 = tpu.memref_slice %arg3[%add3A_26] : memref<16384xi32, #tpu.memory_space<hbm>> -> memref<64xi32, #tpu.memory_space<hbm>>
      %dma_wait3A_68 = tpu.memref_slice %arg3[%add3A_26] : memref<16384xi32, #tpu.memory_space<hbm>> -> memref<64xi32, #tpu.memory_space<hbm>>
      tpu.wait_dma2 semaphore(%run_scoped3A : memref<!tpu.dma_semaphore, #tpu.memory_space<semaphore_mem>>) src(%dma_wait3A_68 : memref<64xi32, #tpu.memory_space<hbm>>) dst(%arg5 : memref<64xi32, #tpu.memory_space<vmem>>)
      tpu.yield
    }) : () -> ()
    %dma_start3A_27 = arith.constant 0 : i32
    %dma_start3A_28 = arith.constant 0 : i32
    %dma_start3A_29 = tpu.memref_slice %arg2[%dma_start3A_27, %dma_start3A_28] : memref<147456x1024xf32, #tpu.memory_space<hbm>> -> memref<147456x1024xf32, #tpu.memory_space<hbm>>
    tpu.enqueue_indirect_dma source(%dma_start3A_29 : memref<147456x1024xf32, #tpu.memory_space<hbm>>) target(%arg6 : memref<64x1024xf32, #tpu.memory_space<vmem>>) offsets(%arg5 : memref<64xi32, #tpu.memory_space<vmem>>) semaphore(%arg7 : memref<!tpu.dma_semaphore, #tpu.memory_space<semaphore_mem>>)
    %dma_wait3A_30 = arith.constant 0 : i32
    %dma_wait3A_31 = arith.constant 0 : i32
    %dma_wait3A_32 = tpu.memref_slice %arg2[%dma_wait3A_30, %dma_wait3A_31] : memref<147456x1024xf32, #tpu.memory_space<hbm>> -> memref<147456x1024xf32, #tpu.memory_space<hbm>>
    tpu.wait_indirect_dma semaphore(%arg7 : memref<!tpu.dma_semaphore, #tpu.memory_space<semaphore_mem>>) src(%dma_wait3A_32 : memref<147456x1024xf32, #tpu.memory_space<hbm>>) dst(%arg6 : memref<64x1024xf32, #tpu.memory_space<vmem>>)
    "tpu.region"() ({
      %run_scoped3A = tpu.sem_alloc : memref<!tpu.dma_semaphore, #tpu.memory_space<semaphore_mem>>
      %dma_start3A_65 = arith.constant 0 : i32
      %dma_start3A_66 = tpu.memref_slice %arg4[%add3A_26, %dma_start3A_65] : memref<16384x1024xf32, #tpu.memory_space<hbm>> -> memref<64x1024xf32, #tpu.memory_space<hbm>>
      %dma_start3A_67 = arith.constant 0 : i32
      %dma_start3A_68 = tpu.memref_slice %arg4[%add3A_26, %dma_start3A_67] : memref<16384x1024xf32, #tpu.memory_space<hbm>> -> memref<64x1024xf32, #tpu.memory_space<hbm>>
      tpu.enqueue_dma source(%arg6 : memref<64x1024xf32, #tpu.memory_space<vmem>>) target(%dma_start3A_68 : memref<64x1024xf32, #tpu.memory_space<hbm>>) target_semaphore(%run_scoped3A : memref<!tpu.dma_semaphore, #tpu.memory_space<semaphore_mem>>)
      %dma_wait3A_69 = arith.constant 0 : i32
      %dma_wait3A_70 = tpu.memref_slice %arg4[%add3A_26, %dma_wait3A_69] : memref<16384x1024xf32, #tpu.memory_space<hbm>> -> memref<64x1024xf32, #tpu.memory_space<hbm>>
      %dma_wait3A_71 = arith.constant 0 : i32
      %dma_wait3A_72 = tpu.memref_slice %arg4[%add3A_26, %dma_wait3A_71] : memref<16384x1024xf32, #tpu.memory_space<hbm>> -> memref<64x1024xf32, #tpu.memory_space<hbm>>
      tpu.wait_dma2 semaphore(%run_scoped3A : memref<!tpu.dma_semaphore, #tpu.memory_space<semaphore_mem>>) src(%arg6 : memref<64x1024xf32, #tpu.memory_space<vmem>>) dst(%dma_wait3A_72 : memref<64x1024xf32, #tpu.memory_space<hbm>>)
      tpu.yield
    }) : () -> ()
    %add3A_33 = arith.constant 256 : i32
    %add3A_34 = arith.addi %mul3A_2, %add3A_33 : i32
    "tpu.region"() ({
      %run_scoped3A = tpu.sem_alloc : memref<!tpu.dma_semaphore, #tpu.memory_space<semaphore_mem>>
      %dma_start3A_65 = tpu.memref_slice %arg3[%add3A_34] : memref<16384xi32, #tpu.memory_space<hbm>> -> memref<64xi32, #tpu.memory_space<hbm>>
      %dma_start3A_66 = tpu.memref_slice %arg3[%add3A_34] : memref<16384xi32, #tpu.memory_space<hbm>> -> memref<64xi32, #tpu.memory_space<hbm>>
      tpu.enqueue_dma source(%dma_start3A_66 : memref<64xi32, #tpu.memory_space<hbm>>) target(%arg5 : memref<64xi32, #tpu.memory_space<vmem>>) target_semaphore(%run_scoped3A : memref<!tpu.dma_semaphore, #tpu.memory_space<semaphore_mem>>)
      %dma_wait3A_67 = tpu.memref_slice %arg3[%add3A_34] : memref<16384xi32, #tpu.memory_space<hbm>> -> memref<64xi32, #tpu.memory_space<hbm>>
      %dma_wait3A_68 = tpu.memref_slice %arg3[%add3A_34] : memref<16384xi32, #tpu.memory_space<hbm>> -> memref<64xi32, #tpu.memory_space<hbm>>
      tpu.wait_dma2 semaphore(%run_scoped3A : memref<!tpu.dma_semaphore, #tpu.memory_space<semaphore_mem>>) src(%dma_wait3A_68 : memref<64xi32, #tpu.memory_space<hbm>>) dst(%arg5 : memref<64xi32, #tpu.memory_space<vmem>>)
      tpu.yield
    }) : () -> ()
    %dma_start3A_35 = arith.constant 0 : i32
    %dma_start3A_36 = arith.constant 0 : i32
    %dma_start3A_37 = tpu.memref_slice %arg2[%dma_start3A_35, %dma_start3A_36] : memref<147456x1024xf32, #tpu.memory_space<hbm>> -> memref<147456x1024xf32, #tpu.memory_space<hbm>>
    tpu.enqueue_indirect_dma source(%dma_start3A_37 : memref<147456x1024xf32, #tpu.memory_space<hbm>>) target(%arg6 : memref<64x1024xf32, #tpu.memory_space<vmem>>) offsets(%arg5 : memref<64xi32, #tpu.memory_space<vmem>>) semaphore(%arg7 : memref<!tpu.dma_semaphore, #tpu.memory_space<semaphore_mem>>)
    %dma_wait3A_38 = arith.constant 0 : i32
    %dma_wait3A_39 = arith.constant 0 : i32
    %dma_wait3A_40 = tpu.memref_slice %arg2[%dma_wait3A_38, %dma_wait3A_39] : memref<147456x1024xf32, #tpu.memory_space<hbm>> -> memref<147456x1024xf32, #tpu.memory_space<hbm>>
    tpu.wait_indirect_dma semaphore(%arg7 : memref<!tpu.dma_semaphore, #tpu.memory_space<semaphore_mem>>) src(%dma_wait3A_40 : memref<147456x1024xf32, #tpu.memory_space<hbm>>) dst(%arg6 : memref<64x1024xf32, #tpu.memory_space<vmem>>)
    "tpu.region"() ({
      %run_scoped3A = tpu.sem_alloc : memref<!tpu.dma_semaphore, #tpu.memory_space<semaphore_mem>>
      %dma_start3A_65 = arith.constant 0 : i32
      %dma_start3A_66 = tpu.memref_slice %arg4[%add3A_34, %dma_start3A_65] : memref<16384x1024xf32, #tpu.memory_space<hbm>> -> memref<64x1024xf32, #tpu.memory_space<hbm>>
      %dma_start3A_67 = arith.constant 0 : i32
      %dma_start3A_68 = tpu.memref_slice %arg4[%add3A_34, %dma_start3A_67] : memref<16384x1024xf32, #tpu.memory_space<hbm>> -> memref<64x1024xf32, #tpu.memory_space<hbm>>
      tpu.enqueue_dma source(%arg6 : memref<64x1024xf32, #tpu.memory_space<vmem>>) target(%dma_start3A_68 : memref<64x1024xf32, #tpu.memory_space<hbm>>) target_semaphore(%run_scoped3A : memref<!tpu.dma_semaphore, #tpu.memory_space<semaphore_mem>>)
      %dma_wait3A_69 = arith.constant 0 : i32
      %dma_wait3A_70 = tpu.memref_slice %arg4[%add3A_34, %dma_wait3A_69] : memref<16384x1024xf32, #tpu.memory_space<hbm>> -> memref<64x1024xf32, #tpu.memory_space<hbm>>
      %dma_wait3A_71 = arith.constant 0 : i32
      %dma_wait3A_72 = tpu.memref_slice %arg4[%add3A_34, %dma_wait3A_71] : memref<16384x1024xf32, #tpu.memory_space<hbm>> -> memref<64x1024xf32, #tpu.memory_space<hbm>>
      tpu.wait_dma2 semaphore(%run_scoped3A : memref<!tpu.dma_semaphore, #tpu.memory_space<semaphore_mem>>) src(%arg6 : memref<64x1024xf32, #tpu.memory_space<vmem>>) dst(%dma_wait3A_72 : memref<64x1024xf32, #tpu.memory_space<hbm>>)
      tpu.yield
    }) : () -> ()
    %add3A_41 = arith.constant 320 : i32
    %add3A_42 = arith.addi %mul3A_2, %add3A_41 : i32
    "tpu.region"() ({
      %run_scoped3A = tpu.sem_alloc : memref<!tpu.dma_semaphore, #tpu.memory_space<semaphore_mem>>
      %dma_start3A_65 = tpu.memref_slice %arg3[%add3A_42] : memref<16384xi32, #tpu.memory_space<hbm>> -> memref<64xi32, #tpu.memory_space<hbm>>
      %dma_start3A_66 = tpu.memref_slice %arg3[%add3A_42] : memref<16384xi32, #tpu.memory_space<hbm>> -> memref<64xi32, #tpu.memory_space<hbm>>
      tpu.enqueue_dma source(%dma_start3A_66 : memref<64xi32, #tpu.memory_space<hbm>>) target(%arg5 : memref<64xi32, #tpu.memory_space<vmem>>) target_semaphore(%run_scoped3A : memref<!tpu.dma_semaphore, #tpu.memory_space<semaphore_mem>>)
      %dma_wait3A_67 = tpu.memref_slice %arg3[%add3A_42] : memref<16384xi32, #tpu.memory_space<hbm>> -> memref<64xi32, #tpu.memory_space<hbm>>
      %dma_wait3A_68 = tpu.memref_slice %arg3[%add3A_42] : memref<16384xi32, #tpu.memory_space<hbm>> -> memref<64xi32, #tpu.memory_space<hbm>>
      tpu.wait_dma2 semaphore(%run_scoped3A : memref<!tpu.dma_semaphore, #tpu.memory_space<semaphore_mem>>) src(%dma_wait3A_68 : memref<64xi32, #tpu.memory_space<hbm>>) dst(%arg5 : memref<64xi32, #tpu.memory_space<vmem>>)
      tpu.yield
    }) : () -> ()
    %dma_start3A_43 = arith.constant 0 : i32
    %dma_start3A_44 = arith.constant 0 : i32
    %dma_start3A_45 = tpu.memref_slice %arg2[%dma_start3A_43, %dma_start3A_44] : memref<147456x1024xf32, #tpu.memory_space<hbm>> -> memref<147456x1024xf32, #tpu.memory_space<hbm>>
    tpu.enqueue_indirect_dma source(%dma_start3A_45 : memref<147456x1024xf32, #tpu.memory_space<hbm>>) target(%arg6 : memref<64x1024xf32, #tpu.memory_space<vmem>>) offsets(%arg5 : memref<64xi32, #tpu.memory_space<vmem>>) semaphore(%arg7 : memref<!tpu.dma_semaphore, #tpu.memory_space<semaphore_mem>>)
    %dma_wait3A_46 = arith.constant 0 : i32
    %dma_wait3A_47 = arith.constant 0 : i32
    %dma_wait3A_48 = tpu.memref_slice %arg2[%dma_wait3A_46, %dma_wait3A_47] : memref<147456x1024xf32, #tpu.memory_space<hbm>> -> memref<147456x1024xf32, #tpu.memory_space<hbm>>
    tpu.wait_indirect_dma semaphore(%arg7 : memref<!tpu.dma_semaphore, #tpu.memory_space<semaphore_mem>>) src(%dma_wait3A_48 : memref<147456x1024xf32, #tpu.memory_space<hbm>>) dst(%arg6 : memref<64x1024xf32, #tpu.memory_space<vmem>>)
    "tpu.region"() ({
      %run_scoped3A = tpu.sem_alloc : memref<!tpu.dma_semaphore, #tpu.memory_space<semaphore_mem>>
      %dma_start3A_65 = arith.constant 0 : i32
      %dma_start3A_66 = tpu.memref_slice %arg4[%add3A_42, %dma_start3A_65] : memref<16384x1024xf32, #tpu.memory_space<hbm>> -> memref<64x1024xf32, #tpu.memory_space<hbm>>
      %dma_start3A_67 = arith.constant 0 : i32
      %dma_start3A_68 = tpu.memref_slice %arg4[%add3A_42, %dma_start3A_67] : memref<16384x1024xf32, #tpu.memory_space<hbm>> -> memref<64x1024xf32, #tpu.memory_space<hbm>>
      tpu.enqueue_dma source(%arg6 : memref<64x1024xf32, #tpu.memory_space<vmem>>) target(%dma_start3A_68 : memref<64x1024xf32, #tpu.memory_space<hbm>>) target_semaphore(%run_scoped3A : memref<!tpu.dma_semaphore, #tpu.memory_space<semaphore_mem>>)
      %dma_wait3A_69 = arith.constant 0 : i32
      %dma_wait3A_70 = tpu.memref_slice %arg4[%add3A_42, %dma_wait3A_69] : memref<16384x1024xf32, #tpu.memory_space<hbm>> -> memref<64x1024xf32, #tpu.memory_space<hbm>>
      %dma_wait3A_71 = arith.constant 0 : i32
      %dma_wait3A_72 = tpu.memref_slice %arg4[%add3A_42, %dma_wait3A_71] : memref<16384x1024xf32, #tpu.memory_space<hbm>> -> memref<64x1024xf32, #tpu.memory_space<hbm>>
      tpu.wait_dma2 semaphore(%run_scoped3A : memref<!tpu.dma_semaphore, #tpu.memory_space<semaphore_mem>>) src(%arg6 : memref<64x1024xf32, #tpu.memory_space<vmem>>) dst(%dma_wait3A_72 : memref<64x1024xf32, #tpu.memory_space<hbm>>)
      tpu.yield
    }) : () -> ()
    %add3A_49 = arith.constant 384 : i32
    %add3A_50 = arith.addi %mul3A_2, %add3A_49 : i32
    "tpu.region"() ({
      %run_scoped3A = tpu.sem_alloc : memref<!tpu.dma_semaphore, #tpu.memory_space<semaphore_mem>>
      %dma_start3A_65 = tpu.memref_slice %arg3[%add3A_50] : memref<16384xi32, #tpu.memory_space<hbm>> -> memref<64xi32, #tpu.memory_space<hbm>>
      %dma_start3A_66 = tpu.memref_slice %arg3[%add3A_50] : memref<16384xi32, #tpu.memory_space<hbm>> -> memref<64xi32, #tpu.memory_space<hbm>>
      tpu.enqueue_dma source(%dma_start3A_66 : memref<64xi32, #tpu.memory_space<hbm>>) target(%arg5 : memref<64xi32, #tpu.memory_space<vmem>>) target_semaphore(%run_scoped3A : memref<!tpu.dma_semaphore, #tpu.memory_space<semaphore_mem>>)
      %dma_wait3A_67 = tpu.memref_slice %arg3[%add3A_50] : memref<16384xi32, #tpu.memory_space<hbm>> -> memref<64xi32, #tpu.memory_space<hbm>>
      %dma_wait3A_68 = tpu.memref_slice %arg3[%add3A_50] : memref<16384xi32, #tpu.memory_space<hbm>> -> memref<64xi32, #tpu.memory_space<hbm>>
      tpu.wait_dma2 semaphore(%run_scoped3A : memref<!tpu.dma_semaphore, #tpu.memory_space<semaphore_mem>>) src(%dma_wait3A_68 : memref<64xi32, #tpu.memory_space<hbm>>) dst(%arg5 : memref<64xi32, #tpu.memory_space<vmem>>)
      tpu.yield
    }) : () -> ()
    %dma_start3A_51 = arith.constant 0 : i32
    %dma_start3A_52 = arith.constant 0 : i32
    %dma_start3A_53 = tpu.memref_slice %arg2[%dma_start3A_51, %dma_start3A_52] : memref<147456x1024xf32, #tpu.memory_space<hbm>> -> memref<147456x1024xf32, #tpu.memory_space<hbm>>
    tpu.enqueue_indirect_dma source(%dma_start3A_53 : memref<147456x1024xf32, #tpu.memory_space<hbm>>) target(%arg6 : memref<64x1024xf32, #tpu.memory_space<vmem>>) offsets(%arg5 : memref<64xi32, #tpu.memory_space<vmem>>) semaphore(%arg7 : memref<!tpu.dma_semaphore, #tpu.memory_space<semaphore_mem>>)
    %dma_wait3A_54 = arith.constant 0 : i32
    %dma_wait3A_55 = arith.constant 0 : i32
    %dma_wait3A_56 = tpu.memref_slice %arg2[%dma_wait3A_54, %dma_wait3A_55] : memref<147456x1024xf32, #tpu.memory_space<hbm>> -> memref<147456x1024xf32, #tpu.memory_space<hbm>>
    tpu.wait_indirect_dma semaphore(%arg7 : memref<!tpu.dma_semaphore, #tpu.memory_space<semaphore_mem>>) src(%dma_wait3A_56 : memref<147456x1024xf32, #tpu.memory_space<hbm>>) dst(%arg6 : memref<64x1024xf32, #tpu.memory_space<vmem>>)
    "tpu.region"() ({
      %run_scoped3A = tpu.sem_alloc : memref<!tpu.dma_semaphore, #tpu.memory_space<semaphore_mem>>
      %dma_start3A_65 = arith.constant 0 : i32
      %dma_start3A_66 = tpu.memref_slice %arg4[%add3A_50, %dma_start3A_65] : memref<16384x1024xf32, #tpu.memory_space<hbm>> -> memref<64x1024xf32, #tpu.memory_space<hbm>>
      %dma_start3A_67 = arith.constant 0 : i32
      %dma_start3A_68 = tpu.memref_slice %arg4[%add3A_50, %dma_start3A_67] : memref<16384x1024xf32, #tpu.memory_space<hbm>> -> memref<64x1024xf32, #tpu.memory_space<hbm>>
      tpu.enqueue_dma source(%arg6 : memref<64x1024xf32, #tpu.memory_space<vmem>>) target(%dma_start3A_68 : memref<64x1024xf32, #tpu.memory_space<hbm>>) target_semaphore(%run_scoped3A : memref<!tpu.dma_semaphore, #tpu.memory_space<semaphore_mem>>)
      %dma_wait3A_69 = arith.constant 0 : i32
      %dma_wait3A_70 = tpu.memref_slice %arg4[%add3A_50, %dma_wait3A_69] : memref<16384x1024xf32, #tpu.memory_space<hbm>> -> memref<64x1024xf32, #tpu.memory_space<hbm>>
      %dma_wait3A_71 = arith.constant 0 : i32
      %dma_wait3A_72 = tpu.memref_slice %arg4[%add3A_50, %dma_wait3A_71] : memref<16384x1024xf32, #tpu.memory_space<hbm>> -> memref<64x1024xf32, #tpu.memory_space<hbm>>
      tpu.wait_dma2 semaphore(%run_scoped3A : memref<!tpu.dma_semaphore, #tpu.memory_space<semaphore_mem>>) src(%arg6 : memref<64x1024xf32, #tpu.memory_space<vmem>>) dst(%dma_wait3A_72 : memref<64x1024xf32, #tpu.memory_space<hbm>>)
      tpu.yield
    }) : () -> ()
    %add3A_57 = arith.constant 448 : i32
    %add3A_58 = arith.addi %mul3A_2, %add3A_57 : i32
    "tpu.region"() ({
      %run_scoped3A = tpu.sem_alloc : memref<!tpu.dma_semaphore, #tpu.memory_space<semaphore_mem>>
      %dma_start3A_65 = tpu.memref_slice %arg3[%add3A_58] : memref<16384xi32, #tpu.memory_space<hbm>> -> memref<64xi32, #tpu.memory_space<hbm>>
      %dma_start3A_66 = tpu.memref_slice %arg3[%add3A_58] : memref<16384xi32, #tpu.memory_space<hbm>> -> memref<64xi32, #tpu.memory_space<hbm>>
      tpu.enqueue_dma source(%dma_start3A_66 : memref<64xi32, #tpu.memory_space<hbm>>) target(%arg5 : memref<64xi32, #tpu.memory_space<vmem>>) target_semaphore(%run_scoped3A : memref<!tpu.dma_semaphore, #tpu.memory_space<semaphore_mem>>)
      %dma_wait3A_67 = tpu.memref_slice %arg3[%add3A_58] : memref<16384xi32, #tpu.memory_space<hbm>> -> memref<64xi32, #tpu.memory_space<hbm>>
      %dma_wait3A_68 = tpu.memref_slice %arg3[%add3A_58] : memref<16384xi32, #tpu.memory_space<hbm>> -> memref<64xi32, #tpu.memory_space<hbm>>
      tpu.wait_dma2 semaphore(%run_scoped3A : memref<!tpu.dma_semaphore, #tpu.memory_space<semaphore_mem>>) src(%dma_wait3A_68 : memref<64xi32, #tpu.memory_space<hbm>>) dst(%arg5 : memref<64xi32, #tpu.memory_space<vmem>>)
      tpu.yield
    }) : () -> ()
    %dma_start3A_59 = arith.constant 0 : i32
    %dma_start3A_60 = arith.constant 0 : i32
    %dma_start3A_61 = tpu.memref_slice %arg2[%dma_start3A_59, %dma_start3A_60] : memref<147456x1024xf32, #tpu.memory_space<hbm>> -> memref<147456x1024xf32, #tpu.memory_space<hbm>>
    tpu.enqueue_indirect_dma source(%dma_start3A_61 : memref<147456x1024xf32, #tpu.memory_space<hbm>>) target(%arg6 : memref<64x1024xf32, #tpu.memory_space<vmem>>) offsets(%arg5 : memref<64xi32, #tpu.memory_space<vmem>>) semaphore(%arg7 : memref<!tpu.dma_semaphore, #tpu.memory_space<semaphore_mem>>)
    %dma_wait3A_62 = arith.constant 0 : i32
    %dma_wait3A_63 = arith.constant 0 : i32
    %dma_wait3A_64 = tpu.memref_slice %arg2[%dma_wait3A_62, %dma_wait3A_63] : memref<147456x1024xf32, #tpu.memory_space<hbm>> -> memref<147456x1024xf32, #tpu.memory_space<hbm>>
    tpu.wait_indirect_dma semaphore(%arg7 : memref<!tpu.dma_semaphore, #tpu.memory_space<semaphore_mem>>) src(%dma_wait3A_64 : memref<147456x1024xf32, #tpu.memory_space<hbm>>) dst(%arg6 : memref<64x1024xf32, #tpu.memory_space<vmem>>)
    "tpu.region"() ({
      %run_scoped3A = tpu.sem_alloc : memref<!tpu.dma_semaphore, #tpu.memory_space<semaphore_mem>>
      %dma_start3A_65 = arith.constant 0 : i32
      %dma_start3A_66 = tpu.memref_slice %arg4[%add3A_58, %dma_start3A_65] : memref<16384x1024xf32, #tpu.memory_space<hbm>> -> memref<64x1024xf32, #tpu.memory_space<hbm>>
      %dma_start3A_67 = arith.constant 0 : i32
      %dma_start3A_68 = tpu.memref_slice %arg4[%add3A_58, %dma_start3A_67] : memref<16384x1024xf32, #tpu.memory_space<hbm>> -> memref<64x1024xf32, #tpu.memory_space<hbm>>
      tpu.enqueue_dma source(%arg6 : memref<64x1024xf32, #tpu.memory_space<vmem>>) target(%dma_start3A_68 : memref<64x1024xf32, #tpu.memory_space<hbm>>) target_semaphore(%run_scoped3A : memref<!tpu.dma_semaphore, #tpu.memory_space<semaphore_mem>>)
      %dma_wait3A_69 = arith.constant 0 : i32
      %dma_wait3A_70 = tpu.memref_slice %arg4[%add3A_58, %dma_wait3A_69] : memref<16384x1024xf32, #tpu.memory_space<hbm>> -> memref<64x1024xf32, #tpu.memory_space<hbm>>
      %dma_wait3A_71 = arith.constant 0 : i32
      %dma_wait3A_72 = tpu.memref_slice %arg4[%add3A_58, %dma_wait3A_71] : memref<16384x1024xf32, #tpu.memory_space<hbm>> -> memref<64x1024xf32, #tpu.memory_space<hbm>>
      tpu.wait_dma2 semaphore(%run_scoped3A : memref<!tpu.dma_semaphore, #tpu.memory_space<semaphore_mem>>) src(%arg6 : memref<64x1024xf32, #tpu.memory_space<vmem>>) dst(%dma_wait3A_72 : memref<64x1024xf32, #tpu.memory_space<hbm>>)
      tpu.yield
    }) : () -> ()
    return
  }
}

module attributes {stable_mosaic.version = 14 : i64} {
  func.func @_score_topk_kernel(%arg0: i32, %arg1: i32, %arg2: memref<1x256x1024xf32, #tpu.memory_space<vmem>>, %arg3: memref<1024x256xf32, #tpu.memory_space<vmem>>, %arg4: memref<1x256xf32, #tpu.memory_space<vmem>>, %arg5: memref<256x1xf32, #tpu.memory_space<vmem>>, %arg6: memref<1x1x256xi32, #tpu.memory_space<vmem>>, %arg7: memref<2304x1xf32, #tpu.memory_space<vmem>>, %arg8: memref<1x2304xf32, #tpu.memory_space<vmem>>) attributes {dimension_semantics = [#tpu.dimension_semantics<arbitrary>, #tpu.dimension_semantics<arbitrary>], iteration_bounds = array<i64: 64, 9>, scalar_prefetch = 0 : i64, scratch_operands = 2 : i64, tpu.core_type = #tpu.core_type<tc>, window_params = [{transform_indices = @transform_0, window_bounds = array<i64: 1, 256, 1024>}, {pipeline_mode = #tpu.pipeline_mode<synchronous>, transform_indices = @transform_1, window_bounds = array<i64: 1024, 256>}, {pipeline_mode = #tpu.pipeline_mode<synchronous>, transform_indices = @transform_2, window_bounds = array<i64: 1, 256>}, {pipeline_mode = #tpu.pipeline_mode<synchronous>, transform_indices = @transform_3, window_bounds = array<i64: 256, 1>}, {transform_indices = @transform_4, window_bounds = array<i64: 1, 1, 256>}]} {
    %get3A = arith.constant 0 : index
    %get3A_0 = arith.constant 0 : index
    %get3A_1 = arith.constant 0 : index
    %get3A_2 = vector.load %arg2[%get3A, %get3A_0, %get3A_1] : memref<1x256x1024xf32, #tpu.memory_space<vmem>>, vector<1x256x1024xf32>
    %get3A_3 = vector.shape_cast %get3A_2 : vector<1x256x1024xf32> to vector<256x1024xf32>
    %convert_element_type3A = arith.truncf %get3A_3 : vector<256x1024xf32> to vector<256x1024xbf16>
    %get3A_4 = arith.constant 0 : index
    %get3A_5 = arith.constant 0 : index
    %get3A_6 = vector.load %arg3[%get3A_4, %get3A_5] : memref<1024x256xf32, #tpu.memory_space<vmem>>, vector<1024x256xf32>
    %convert_element_type3A_7 = arith.truncf %get3A_6 : vector<1024x256xf32> to vector<1024x256xbf16>
    %dot_general3A = arith.constant dense<0.000000e+00> : vector<256x256xf32>
    %dot_general3A_8 = tpu.matmul %convert_element_type3A, %convert_element_type3A_7, %dot_general3A {dimension_numbers = #tpu.dot_dimension_numbers<[1], [0], [0], [1], [0, 0, 1, 1], [], []>, transpose_lhs_hint = false} : vector<256x1024xbf16>, vector<1024x256xbf16>, vector<256x256xf32> -> vector<256x256xf32>
    %get3A_9 = arith.constant 0 : index
    %get3A_10 = arith.constant 0 : index
    %get3A_11 = vector.load %arg4[%get3A_9, %get3A_10] : memref<1x256xf32, #tpu.memory_space<vmem>>, vector<1x256xf32>
    %add3A = vector.broadcast %get3A_11 : vector<1x256xf32> to vector<256x256xf32>
    %add3A_12 = arith.addf %dot_general3A_8, %add3A : vector<256x256xf32>
    %max3A = arith.constant 0.000000e+00 : f32
    %max3A_13 = vector.broadcast %max3A : f32 to vector<256x256xf32>
    %max3A_14 = arith.maximumf %add3A_12, %max3A_13 : vector<256x256xf32>
    %get3A_15 = arith.constant 0 : index
    %get3A_16 = arith.constant 0 : index
    %get3A_17 = vector.load %arg5[%get3A_15, %get3A_16] : memref<256x1xf32, #tpu.memory_space<vmem>>, vector<256x1xf32>
    %convert_element_type3A_18 = arith.truncf %get3A_17 : vector<256x1xf32> to vector<256x1xbf16>
    %transpose3A = tpu.transpose %max3A_14, [1, 0] : vector<256x256xf32> -> vector<256x256xf32>
    %convert_element_type3A_19 = arith.truncf %transpose3A : vector<256x256xf32> to vector<256x256xbf16>
    %dot_general3A_20 = arith.constant dense<0.000000e+00> : vector<1x256xf32>
    %dot_general3A_21 = tpu.matmul %convert_element_type3A_18, %convert_element_type3A_19, %dot_general3A_20 {dimension_numbers = #tpu.dot_dimension_numbers<[0], [0], [1], [1], [0, 1, 1, 1], [], []>, transpose_lhs_hint = false} : vector<256x1xbf16>, vector<256x256xbf16>, vector<1x256xf32> -> vector<1x256xf32>
    %transpose3A_22 = tpu.transpose %dot_general3A_21, [1, 0] : vector<1x256xf32> -> vector<256x1xf32>
    %mul3A = arith.constant 256 : i32
    %mul3A_23 = arith.muli %arg1, %mul3A : i32
    %swap3A = arith.index_cast %mul3A_23 : i32 to index
    %swap3A_24 = arith.constant 0 : index
    %swap3A_25 = vector.load %arg7[%swap3A, %swap3A_24] : memref<2304x1xf32, #tpu.memory_space<vmem>>, vector<256x1xf32>
    tpu.vector_store %arg7[%swap3A, %swap3A_24], %transpose3A_22 {strides = array<i32>} : memref<2304x1xf32, #tpu.memory_space<vmem>>, vector<256x1xf32>,
    %mul3A_26 = arith.constant 256 : i32
    %mul3A_27 = arith.muli %arg1, %mul3A_26 : i32
    %swap3A_28 = arith.constant 0 : index
    %swap3A_29 = arith.index_cast %mul3A_27 : i32 to index
    %swap3A_30 = vector.load %arg8[%swap3A_28, %swap3A_29] : memref<1x2304xf32, #tpu.memory_space<vmem>>, vector<1x256xf32>
    tpu.vector_store %arg8[%swap3A_28, %swap3A_29], %dot_general3A_21 {strides = array<i32>} : memref<1x2304xf32, #tpu.memory_space<vmem>>, vector<1x256xf32>,
    %eq3A = arith.constant 8 : i32
    %eq3A_31 = arith.cmpi eq, %arg1, %eq3A : i32
    %convert_element_type3A_32 = arith.extui %eq3A_31 : i1 to i32
    %cond3A = arith.constant 0 : i32
    %cond3A_33 = arith.cmpi ne, %convert_element_type3A_32, %cond3A : i32
    scf.if %cond3A_33 {
      %get3A_34 = arith.constant 0 : index
      %get3A_35 = arith.constant 0 : index
      %get3A_36 = vector.load %arg8[%get3A_34, %get3A_35] : memref<1x2304xf32, #tpu.memory_space<vmem>>, vector<1x2304xf32>
      %iota3A = tpu.iota {dimensions = array<i32: 1>} : vector<1x2304xi32>
      %iota3A_37 = tpu.iota {dimensions = array<i32: 1>} : vector<1x256xi32>
      %broadcast_in_dim3A = arith.constant 0 : i32
      %broadcast_in_dim3A_38 = vector.broadcast %broadcast_in_dim3A : i32 to vector<1x256xi32>
      %get3A_39 = arith.constant 0 : index
      %get3A_40 = arith.constant 0 : index
      %get3A_41 = vector.load %arg7[%get3A_39, %get3A_40] : memref<2304x1xf32, #tpu.memory_space<vmem>>, vector<256x1xf32>
      %iota3A_42 = tpu.iota {dimensions = array<i32: 0>} : vector<256x1xi32>
      %add3A_43 = arith.constant 0 : i32
      %add3A_44 = vector.broadcast %add3A_43 : i32 to vector<256x1xi32>
      %add3A_45 = arith.addi %iota3A_42, %add3A_44 : vector<256x1xi32>
      %gt3A = vector.broadcast %get3A_36 : vector<1x2304xf32> to vector<256x2304xf32>
      %gt3A_46 = vector.broadcast %get3A_41 : vector<256x1xf32> to vector<256x2304xf32>
      %gt3A_47 = arith.cmpf ogt, %gt3A, %gt3A_46 : vector<256x2304xf32>
      %eq3A_48 = vector.broadcast %get3A_36 : vector<1x2304xf32> to vector<256x2304xf32>
      %eq3A_49 = vector.broadcast %get3A_41 : vector<256x1xf32> to vector<256x2304xf32>
      %eq3A_50 = arith.cmpf oeq, %eq3A_48, %eq3A_49 : vector<256x2304xf32>
      %lt3A = vector.broadcast %iota3A : vector<1x2304xi32> to vector<256x2304xi32>
      %lt3A_51 = vector.broadcast %add3A_45 : vector<256x1xi32> to vector<256x2304xi32>
      %lt3A_52 = arith.cmpi slt, %lt3A, %lt3A_51 : vector<256x2304xi32>
      %and3A = arith.andi %eq3A_50, %lt3A_52 : vector<256x2304xi1>
      %or3A = arith.ori %gt3A_47, %and3A : vector<256x2304xi1>
      %convert_element_type3A_53 = arith.extui %or3A : vector<256x2304xi1> to vector<256x2304xi32>
      %reduce_sum3A = arith.constant dense<0> : vector<256xi32>
      %reduce_sum3A_54 = vector.multi_reduction <add>, %convert_element_type3A_53, %reduce_sum3A [1] : vector<256x2304xi32> to vector<256xi32>
      %broadcast_in_dim3A_55 = vector.shape_cast %reduce_sum3A_54 : vector<256xi32> to vector<256x1xi32>
      %eq3A_56 = vector.broadcast %broadcast_in_dim3A_55 : vector<256x1xi32> to vector<256x256xi32>
      %eq3A_57 = vector.broadcast %iota3A_37 : vector<1x256xi32> to vector<256x256xi32>
      %eq3A_58 = arith.cmpi eq, %eq3A_56, %eq3A_57 : vector<256x256xi32>
      %broadcast_in_dim3A_59 = vector.shape_cast %add3A_45 : vector<256x1xi32> to vector<256x1xi32>
      %broadcast_in_dim3A_60 = vector.broadcast %broadcast_in_dim3A_59 : vector<256x1xi32> to vector<256x256xi32>
      %jit3A = arith.constant 0 : i32
      %broadcast_in_dim3A_61 = vector.broadcast %jit3A : i32 to vector<256x256xi32>
      %select_n3A = arith.select %eq3A_58, %broadcast_in_dim3A_60, %broadcast_in_dim3A_61 : vector<256x256xi1>, vector<256x256xi32>
      %reduce_sum3A_62 = arith.constant dense<0> : vector<256xi32>
      %reduce_sum3A_63 = vector.multi_reduction <add>, %select_n3A, %reduce_sum3A_62 [0] : vector<256x256xi32> to vector<256xi32>
      %broadcast_in_dim3A_64 = vector.shape_cast %reduce_sum3A_63 : vector<256xi32> to vector<1x256xi32>
      %add3A_65 = arith.addi %broadcast_in_dim3A_38, %broadcast_in_dim3A_64 : vector<1x256xi32>
      %get3A_66 = arith.constant 256 : index
      %get3A_67 = arith.constant 0 : index
      %get3A_68 = vector.load %arg7[%get3A_66, %get3A_67] : memref<2304x1xf32, #tpu.memory_space<vmem>>, vector<256x1xf32>
      %iota3A_69 = tpu.iota {dimensions = array<i32: 0>} : vector<256x1xi32>
      %add3A_70 = arith.constant 256 : i32
      %add3A_71 = vector.broadcast %add3A_70 : i32 to vector<256x1xi32>
      %add3A_72 = arith.addi %iota3A_69, %add3A_71 : vector<256x1xi32>
      %gt3A_73 = vector.broadcast %get3A_36 : vector<1x2304xf32> to vector<256x2304xf32>
      %gt3A_74 = vector.broadcast %get3A_68 : vector<256x1xf32> to vector<256x2304xf32>
      %gt3A_75 = arith.cmpf ogt, %gt3A_73, %gt3A_74 : vector<256x2304xf32>
      %eq3A_76 = vector.broadcast %get3A_36 : vector<1x2304xf32> to vector<256x2304xf32>
      %eq3A_77 = vector.broadcast %get3A_68 : vector<256x1xf32> to vector<256x2304xf32>
      %eq3A_78 = arith.cmpf oeq, %eq3A_76, %eq3A_77 : vector<256x2304xf32>
      %lt3A_79 = vector.broadcast %iota3A : vector<1x2304xi32> to vector<256x2304xi32>
      %lt3A_80 = vector.broadcast %add3A_72 : vector<256x1xi32> to vector<256x2304xi32>
      %lt3A_81 = arith.cmpi slt, %lt3A_79, %lt3A_80 : vector<256x2304xi32>
      %and3A_82 = arith.andi %eq3A_78, %lt3A_81 : vector<256x2304xi1>
      %or3A_83 = arith.ori %gt3A_75, %and3A_82 : vector<256x2304xi1>
      %convert_element_type3A_84 = arith.extui %or3A_83 : vector<256x2304xi1> to vector<256x2304xi32>
      %reduce_sum3A_85 = arith.constant dense<0> : vector<256xi32>
      %reduce_sum3A_86 = vector.multi_reduction <add>, %convert_element_type3A_84, %reduce_sum3A_85 [1] : vector<256x2304xi32> to vector<256xi32>
      %broadcast_in_dim3A_87 = vector.shape_cast %reduce_sum3A_86 : vector<256xi32> to vector<256x1xi32>
      %eq3A_88 = vector.broadcast %broadcast_in_dim3A_87 : vector<256x1xi32> to vector<256x256xi32>
      %eq3A_89 = vector.broadcast %iota3A_37 : vector<1x256xi32> to vector<256x256xi32>
      %eq3A_90 = arith.cmpi eq, %eq3A_88, %eq3A_89 : vector<256x256xi32>
      %broadcast_in_dim3A_91 = vector.shape_cast %add3A_72 : vector<256x1xi32> to vector<256x1xi32>
      %broadcast_in_dim3A_92 = vector.broadcast %broadcast_in_dim3A_91 : vector<256x1xi32> to vector<256x256xi32>
      %jit3A_93 = arith.constant 0 : i32
      %broadcast_in_dim3A_94 = vector.broadcast %jit3A_93 : i32 to vector<256x256xi32>
      %select_n3A_95 = arith.select %eq3A_90, %broadcast_in_dim3A_92, %broadcast_in_dim3A_94 : vector<256x256xi1>, vector<256x256xi32>
      %reduce_sum3A_96 = arith.constant dense<0> : vector<256xi32>
      %reduce_sum3A_97 = vector.multi_reduction <add>, %select_n3A_95, %reduce_sum3A_96 [0] : vector<256x256xi32> to vector<256xi32>
      %broadcast_in_dim3A_98 = vector.shape_cast %reduce_sum3A_97 : vector<256xi32> to vector<1x256xi32>
      %add3A_99 = arith.addi %add3A_65, %broadcast_in_dim3A_98 : vector<1x256xi32>
      %get3A_100 = arith.constant 512 : index
      %get3A_101 = arith.constant 0 : index
      %get3A_102 = vector.load %arg7[%get3A_100, %get3A_101] : memref<2304x1xf32, #tpu.memory_space<vmem>>, vector<256x1xf32>
      %iota3A_103 = tpu.iota {dimensions = array<i32: 0>} : vector<256x1xi32>
      %add3A_104 = arith.constant 512 : i32
      %add3A_105 = vector.broadcast %add3A_104 : i32 to vector<256x1xi32>
      %add3A_106 = arith.addi %iota3A_103, %add3A_105 : vector<256x1xi32>
      %gt3A_107 = vector.broadcast %get3A_36 : vector<1x2304xf32> to vector<256x2304xf32>
      %gt3A_108 = vector.broadcast %get3A_102 : vector<256x1xf32> to vector<256x2304xf32>
      %gt3A_109 = arith.cmpf ogt, %gt3A_107, %gt3A_108 : vector<256x2304xf32>
      %eq3A_110 = vector.broadcast %get3A_36 : vector<1x2304xf32> to vector<256x2304xf32>
      %eq3A_111 = vector.broadcast %get3A_102 : vector<256x1xf32> to vector<256x2304xf32>
      %eq3A_112 = arith.cmpf oeq, %eq3A_110, %eq3A_111 : vector<256x2304xf32>
      %lt3A_113 = vector.broadcast %iota3A : vector<1x2304xi32> to vector<256x2304xi32>
      %lt3A_114 = vector.broadcast %add3A_106 : vector<256x1xi32> to vector<256x2304xi32>
      %lt3A_115 = arith.cmpi slt, %lt3A_113, %lt3A_114 : vector<256x2304xi32>
      %and3A_116 = arith.andi %eq3A_112, %lt3A_115 : vector<256x2304xi1>
      %or3A_117 = arith.ori %gt3A_109, %and3A_116 : vector<256x2304xi1>
      %convert_element_type3A_118 = arith.extui %or3A_117 : vector<256x2304xi1> to vector<256x2304xi32>
      %reduce_sum3A_119 = arith.constant dense<0> : vector<256xi32>
      %reduce_sum3A_120 = vector.multi_reduction <add>, %convert_element_type3A_118, %reduce_sum3A_119 [1] : vector<256x2304xi32> to vector<256xi32>
      %broadcast_in_dim3A_121 = vector.shape_cast %reduce_sum3A_120 : vector<256xi32> to vector<256x1xi32>
      %eq3A_122 = vector.broadcast %broadcast_in_dim3A_121 : vector<256x1xi32> to vector<256x256xi32>
      %eq3A_123 = vector.broadcast %iota3A_37 : vector<1x256xi32> to vector<256x256xi32>
      %eq3A_124 = arith.cmpi eq, %eq3A_122, %eq3A_123 : vector<256x256xi32>
      %broadcast_in_dim3A_125 = vector.shape_cast %add3A_106 : vector<256x1xi32> to vector<256x1xi32>
      %broadcast_in_dim3A_126 = vector.broadcast %broadcast_in_dim3A_125 : vector<256x1xi32> to vector<256x256xi32>
      %jit3A_127 = arith.constant 0 : i32
      %broadcast_in_dim3A_128 = vector.broadcast %jit3A_127 : i32 to vector<256x256xi32>
      %select_n3A_129 = arith.select %eq3A_124, %broadcast_in_dim3A_126, %broadcast_in_dim3A_128 : vector<256x256xi1>, vector<256x256xi32>
      %reduce_sum3A_130 = arith.constant dense<0> : vector<256xi32>
      %reduce_sum3A_131 = vector.multi_reduction <add>, %select_n3A_129, %reduce_sum3A_130 [0] : vector<256x256xi32> to vector<256xi32>
      %broadcast_in_dim3A_132 = vector.shape_cast %reduce_sum3A_131 : vector<256xi32> to vector<1x256xi32>
      %add3A_133 = arith.addi %add3A_99, %broadcast_in_dim3A_132 : vector<1x256xi32>
      %get3A_134 = arith.constant 768 : index
      %get3A_135 = arith.constant 0 : index
      %get3A_136 = vector.load %arg7[%get3A_134, %get3A_135] : memref<2304x1xf32, #tpu.memory_space<vmem>>, vector<256x1xf32>
      %iota3A_137 = tpu.iota {dimensions = array<i32: 0>} : vector<256x1xi32>
      %add3A_138 = arith.constant 768 : i32
      %add3A_139 = vector.broadcast %add3A_138 : i32 to vector<256x1xi32>
      %add3A_140 = arith.addi %iota3A_137, %add3A_139 : vector<256x1xi32>
      %gt3A_141 = vector.broadcast %get3A_36 : vector<1x2304xf32> to vector<256x2304xf32>
      %gt3A_142 = vector.broadcast %get3A_136 : vector<256x1xf32> to vector<256x2304xf32>
      %gt3A_143 = arith.cmpf ogt, %gt3A_141, %gt3A_142 : vector<256x2304xf32>
      %eq3A_144 = vector.broadcast %get3A_36 : vector<1x2304xf32> to vector<256x2304xf32>
      %eq3A_145 = vector.broadcast %get3A_136 : vector<256x1xf32> to vector<256x2304xf32>
      %eq3A_146 = arith.cmpf oeq, %eq3A_144, %eq3A_145 : vector<256x2304xf32>
      %lt3A_147 = vector.broadcast %iota3A : vector<1x2304xi32> to vector<256x2304xi32>
      %lt3A_148 = vector.broadcast %add3A_140 : vector<256x1xi32> to vector<256x2304xi32>
      %lt3A_149 = arith.cmpi slt, %lt3A_147, %lt3A_148 : vector<256x2304xi32>
      %and3A_150 = arith.andi %eq3A_146, %lt3A_149 : vector<256x2304xi1>
      %or3A_151 = arith.ori %gt3A_143, %and3A_150 : vector<256x2304xi1>
      %convert_element_type3A_152 = arith.extui %or3A_151 : vector<256x2304xi1> to vector<256x2304xi32>
      %reduce_sum3A_153 = arith.constant dense<0> : vector<256xi32>
      %reduce_sum3A_154 = vector.multi_reduction <add>, %convert_element_type3A_152, %reduce_sum3A_153 [1] : vector<256x2304xi32> to vector<256xi32>
      %broadcast_in_dim3A_155 = vector.shape_cast %reduce_sum3A_154 : vector<256xi32> to vector<256x1xi32>
      %eq3A_156 = vector.broadcast %broadcast_in_dim3A_155 : vector<256x1xi32> to vector<256x256xi32>
      %eq3A_157 = vector.broadcast %iota3A_37 : vector<1x256xi32> to vector<256x256xi32>
      %eq3A_158 = arith.cmpi eq, %eq3A_156, %eq3A_157 : vector<256x256xi32>
      %broadcast_in_dim3A_159 = vector.shape_cast %add3A_140 : vector<256x1xi32> to vector<256x1xi32>
      %broadcast_in_dim3A_160 = vector.broadcast %broadcast_in_dim3A_159 : vector<256x1xi32> to vector<256x256xi32>
      %jit3A_161 = arith.constant 0 : i32
      %broadcast_in_dim3A_162 = vector.broadcast %jit3A_161 : i32 to vector<256x256xi32>
      %select_n3A_163 = arith.select %eq3A_158, %broadcast_in_dim3A_160, %broadcast_in_dim3A_162 : vector<256x256xi1>, vector<256x256xi32>
      %reduce_sum3A_164 = arith.constant dense<0> : vector<256xi32>
      %reduce_sum3A_165 = vector.multi_reduction <add>, %select_n3A_163, %reduce_sum3A_164 [0] : vector<256x256xi32> to vector<256xi32>
      %broadcast_in_dim3A_166 = vector.shape_cast %reduce_sum3A_165 : vector<256xi32> to vector<1x256xi32>
      %add3A_167 = arith.addi %add3A_133, %broadcast_in_dim3A_166 : vector<1x256xi32>
      %get3A_168 = arith.constant 1024 : index
      %get3A_169 = arith.constant 0 : index
      %get3A_170 = vector.load %arg7[%get3A_168, %get3A_169] : memref<2304x1xf32, #tpu.memory_space<vmem>>, vector<256x1xf32>
      %iota3A_171 = tpu.iota {dimensions = array<i32: 0>} : vector<256x1xi32>
      %add3A_172 = arith.constant 1024 : i32
      %add3A_173 = vector.broadcast %add3A_172 : i32 to vector<256x1xi32>
      %add3A_174 = arith.addi %iota3A_171, %add3A_173 : vector<256x1xi32>
      %gt3A_175 = vector.broadcast %get3A_36 : vector<1x2304xf32> to vector<256x2304xf32>
      %gt3A_176 = vector.broadcast %get3A_170 : vector<256x1xf32> to vector<256x2304xf32>
      %gt3A_177 = arith.cmpf ogt, %gt3A_175, %gt3A_176 : vector<256x2304xf32>
      %eq3A_178 = vector.broadcast %get3A_36 : vector<1x2304xf32> to vector<256x2304xf32>
      %eq3A_179 = vector.broadcast %get3A_170 : vector<256x1xf32> to vector<256x2304xf32>
      %eq3A_180 = arith.cmpf oeq, %eq3A_178, %eq3A_179 : vector<256x2304xf32>
      %lt3A_181 = vector.broadcast %iota3A : vector<1x2304xi32> to vector<256x2304xi32>
      %lt3A_182 = vector.broadcast %add3A_174 : vector<256x1xi32> to vector<256x2304xi32>
      %lt3A_183 = arith.cmpi slt, %lt3A_181, %lt3A_182 : vector<256x2304xi32>
      %and3A_184 = arith.andi %eq3A_180, %lt3A_183 : vector<256x2304xi1>
      %or3A_185 = arith.ori %gt3A_177, %and3A_184 : vector<256x2304xi1>
      %convert_element_type3A_186 = arith.extui %or3A_185 : vector<256x2304xi1> to vector<256x2304xi32>
      %reduce_sum3A_187 = arith.constant dense<0> : vector<256xi32>
      %reduce_sum3A_188 = vector.multi_reduction <add>, %convert_element_type3A_186, %reduce_sum3A_187 [1] : vector<256x2304xi32> to vector<256xi32>
      %broadcast_in_dim3A_189 = vector.shape_cast %reduce_sum3A_188 : vector<256xi32> to vector<256x1xi32>
      %eq3A_190 = vector.broadcast %broadcast_in_dim3A_189 : vector<256x1xi32> to vector<256x256xi32>
      %eq3A_191 = vector.broadcast %iota3A_37 : vector<1x256xi32> to vector<256x256xi32>
      %eq3A_192 = arith.cmpi eq, %eq3A_190, %eq3A_191 : vector<256x256xi32>
      %broadcast_in_dim3A_193 = vector.shape_cast %add3A_174 : vector<256x1xi32> to vector<256x1xi32>
      %broadcast_in_dim3A_194 = vector.broadcast %broadcast_in_dim3A_193 : vector<256x1xi32> to vector<256x256xi32>
      %jit3A_195 = arith.constant 0 : i32
      %broadcast_in_dim3A_196 = vector.broadcast %jit3A_195 : i32 to vector<256x256xi32>
      %select_n3A_197 = arith.select %eq3A_192, %broadcast_in_dim3A_194, %broadcast_in_dim3A_196 : vector<256x256xi1>, vector<256x256xi32>
      %reduce_sum3A_198 = arith.constant dense<0> : vector<256xi32>
      %reduce_sum3A_199 = vector.multi_reduction <add>, %select_n3A_197, %reduce_sum3A_198 [0] : vector<256x256xi32> to vector<256xi32>
      %broadcast_in_dim3A_200 = vector.shape_cast %reduce_sum3A_199 : vector<256xi32> to vector<1x256xi32>
      %add3A_201 = arith.addi %add3A_167, %broadcast_in_dim3A_200 : vector<1x256xi32>
      %get3A_202 = arith.constant 1280 : index
      %get3A_203 = arith.constant 0 : index
      %get3A_204 = vector.load %arg7[%get3A_202, %get3A_203] : memref<2304x1xf32, #tpu.memory_space<vmem>>, vector<256x1xf32>
      %iota3A_205 = tpu.iota {dimensions = array<i32: 0>} : vector<256x1xi32>
      %add3A_206 = arith.constant 1280 : i32
      %add3A_207 = vector.broadcast %add3A_206 : i32 to vector<256x1xi32>
      %add3A_208 = arith.addi %iota3A_205, %add3A_207 : vector<256x1xi32>
      %gt3A_209 = vector.broadcast %get3A_36 : vector<1x2304xf32> to vector<256x2304xf32>
      %gt3A_210 = vector.broadcast %get3A_204 : vector<256x1xf32> to vector<256x2304xf32>
      %gt3A_211 = arith.cmpf ogt, %gt3A_209, %gt3A_210 : vector<256x2304xf32>
      %eq3A_212 = vector.broadcast %get3A_36 : vector<1x2304xf32> to vector<256x2304xf32>
      %eq3A_213 = vector.broadcast %get3A_204 : vector<256x1xf32> to vector<256x2304xf32>
      %eq3A_214 = arith.cmpf oeq, %eq3A_212, %eq3A_213 : vector<256x2304xf32>
      %lt3A_215 = vector.broadcast %iota3A : vector<1x2304xi32> to vector<256x2304xi32>
      %lt3A_216 = vector.broadcast %add3A_208 : vector<256x1xi32> to vector<256x2304xi32>
      %lt3A_217 = arith.cmpi slt, %lt3A_215, %lt3A_216 : vector<256x2304xi32>
      %and3A_218 = arith.andi %eq3A_214, %lt3A_217 : vector<256x2304xi1>
      %or3A_219 = arith.ori %gt3A_211, %and3A_218 : vector<256x2304xi1>
      %convert_element_type3A_220 = arith.extui %or3A_219 : vector<256x2304xi1> to vector<256x2304xi32>
      %reduce_sum3A_221 = arith.constant dense<0> : vector<256xi32>
      %reduce_sum3A_222 = vector.multi_reduction <add>, %convert_element_type3A_220, %reduce_sum3A_221 [1] : vector<256x2304xi32> to vector<256xi32>
      %broadcast_in_dim3A_223 = vector.shape_cast %reduce_sum3A_222 : vector<256xi32> to vector<256x1xi32>
      %eq3A_224 = vector.broadcast %broadcast_in_dim3A_223 : vector<256x1xi32> to vector<256x256xi32>
      %eq3A_225 = vector.broadcast %iota3A_37 : vector<1x256xi32> to vector<256x256xi32>
      %eq3A_226 = arith.cmpi eq, %eq3A_224, %eq3A_225 : vector<256x256xi32>
      %broadcast_in_dim3A_227 = vector.shape_cast %add3A_208 : vector<256x1xi32> to vector<256x1xi32>
      %broadcast_in_dim3A_228 = vector.broadcast %broadcast_in_dim3A_227 : vector<256x1xi32> to vector<256x256xi32>
      %jit3A_229 = arith.constant 0 : i32
      %broadcast_in_dim3A_230 = vector.broadcast %jit3A_229 : i32 to vector<256x256xi32>
      %select_n3A_231 = arith.select %eq3A_226, %broadcast_in_dim3A_228, %broadcast_in_dim3A_230 : vector<256x256xi1>, vector<256x256xi32>
      %reduce_sum3A_232 = arith.constant dense<0> : vector<256xi32>
      %reduce_sum3A_233 = vector.multi_reduction <add>, %select_n3A_231, %reduce_sum3A_232 [0] : vector<256x256xi32> to vector<256xi32>
      %broadcast_in_dim3A_234 = vector.shape_cast %reduce_sum3A_233 : vector<256xi32> to vector<1x256xi32>
      %add3A_235 = arith.addi %add3A_201, %broadcast_in_dim3A_234 : vector<1x256xi32>
      %get3A_236 = arith.constant 1536 : index
      %get3A_237 = arith.constant 0 : index
      %get3A_238 = vector.load %arg7[%get3A_236, %get3A_237] : memref<2304x1xf32, #tpu.memory_space<vmem>>, vector<256x1xf32>
      %iota3A_239 = tpu.iota {dimensions = array<i32: 0>} : vector<256x1xi32>
      %add3A_240 = arith.constant 1536 : i32
      %add3A_241 = vector.broadcast %add3A_240 : i32 to vector<256x1xi32>
      %add3A_242 = arith.addi %iota3A_239, %add3A_241 : vector<256x1xi32>
      %gt3A_243 = vector.broadcast %get3A_36 : vector<1x2304xf32> to vector<256x2304xf32>
      %gt3A_244 = vector.broadcast %get3A_238 : vector<256x1xf32> to vector<256x2304xf32>
      %gt3A_245 = arith.cmpf ogt, %gt3A_243, %gt3A_244 : vector<256x2304xf32>
      %eq3A_246 = vector.broadcast %get3A_36 : vector<1x2304xf32> to vector<256x2304xf32>
      %eq3A_247 = vector.broadcast %get3A_238 : vector<256x1xf32> to vector<256x2304xf32>
      %eq3A_248 = arith.cmpf oeq, %eq3A_246, %eq3A_247 : vector<256x2304xf32>
      %lt3A_249 = vector.broadcast %iota3A : vector<1x2304xi32> to vector<256x2304xi32>
      %lt3A_250 = vector.broadcast %add3A_242 : vector<256x1xi32> to vector<256x2304xi32>
      %lt3A_251 = arith.cmpi slt, %lt3A_249, %lt3A_250 : vector<256x2304xi32>
      %and3A_252 = arith.andi %eq3A_248, %lt3A_251 : vector<256x2304xi1>
      %or3A_253 = arith.ori %gt3A_245, %and3A_252 : vector<256x2304xi1>
      %convert_element_type3A_254 = arith.extui %or3A_253 : vector<256x2304xi1> to vector<256x2304xi32>
      %reduce_sum3A_255 = arith.constant dense<0> : vector<256xi32>
      %reduce_sum3A_256 = vector.multi_reduction <add>, %convert_element_type3A_254, %reduce_sum3A_255 [1] : vector<256x2304xi32> to vector<256xi32>
      %broadcast_in_dim3A_257 = vector.shape_cast %reduce_sum3A_256 : vector<256xi32> to vector<256x1xi32>
      %eq3A_258 = vector.broadcast %broadcast_in_dim3A_257 : vector<256x1xi32> to vector<256x256xi32>
      %eq3A_259 = vector.broadcast %iota3A_37 : vector<1x256xi32> to vector<256x256xi32>
      %eq3A_260 = arith.cmpi eq, %eq3A_258, %eq3A_259 : vector<256x256xi32>
      %broadcast_in_dim3A_261 = vector.shape_cast %add3A_242 : vector<256x1xi32> to vector<256x1xi32>
      %broadcast_in_dim3A_262 = vector.broadcast %broadcast_in_dim3A_261 : vector<256x1xi32> to vector<256x256xi32>
      %jit3A_263 = arith.constant 0 : i32
      %broadcast_in_dim3A_264 = vector.broadcast %jit3A_263 : i32 to vector<256x256xi32>
      %select_n3A_265 = arith.select %eq3A_260, %broadcast_in_dim3A_262, %broadcast_in_dim3A_264 : vector<256x256xi1>, vector<256x256xi32>
      %reduce_sum3A_266 = arith.constant dense<0> : vector<256xi32>
      %reduce_sum3A_267 = vector.multi_reduction <add>, %select_n3A_265, %reduce_sum3A_266 [0] : vector<256x256xi32> to vector<256xi32>
      %broadcast_in_dim3A_268 = vector.shape_cast %reduce_sum3A_267 : vector<256xi32> to vector<1x256xi32>
      %add3A_269 = arith.addi %add3A_235, %broadcast_in_dim3A_268 : vector<1x256xi32>
      %get3A_270 = arith.constant 1792 : index
      %get3A_271 = arith.constant 0 : index
      %get3A_272 = vector.load %arg7[%get3A_270, %get3A_271] : memref<2304x1xf32, #tpu.memory_space<vmem>>, vector<256x1xf32>
      %iota3A_273 = tpu.iota {dimensions = array<i32: 0>} : vector<256x1xi32>
      %add3A_274 = arith.constant 1792 : i32
      %add3A_275 = vector.broadcast %add3A_274 : i32 to vector<256x1xi32>
      %add3A_276 = arith.addi %iota3A_273, %add3A_275 : vector<256x1xi32>
      %gt3A_277 = vector.broadcast %get3A_36 : vector<1x2304xf32> to vector<256x2304xf32>
      %gt3A_278 = vector.broadcast %get3A_272 : vector<256x1xf32> to vector<256x2304xf32>
      %gt3A_279 = arith.cmpf ogt, %gt3A_277, %gt3A_278 : vector<256x2304xf32>
      %eq3A_280 = vector.broadcast %get3A_36 : vector<1x2304xf32> to vector<256x2304xf32>
      %eq3A_281 = vector.broadcast %get3A_272 : vector<256x1xf32> to vector<256x2304xf32>
      %eq3A_282 = arith.cmpf oeq, %eq3A_280, %eq3A_281 : vector<256x2304xf32>
      %lt3A_283 = vector.broadcast %iota3A : vector<1x2304xi32> to vector<256x2304xi32>
      %lt3A_284 = vector.broadcast %add3A_276 : vector<256x1xi32> to vector<256x2304xi32>
      %lt3A_285 = arith.cmpi slt, %lt3A_283, %lt3A_284 : vector<256x2304xi32>
      %and3A_286 = arith.andi %eq3A_282, %lt3A_285 : vector<256x2304xi1>
      %or3A_287 = arith.ori %gt3A_279, %and3A_286 : vector<256x2304xi1>
      %convert_element_type3A_288 = arith.extui %or3A_287 : vector<256x2304xi1> to vector<256x2304xi32>
      %reduce_sum3A_289 = arith.constant dense<0> : vector<256xi32>
      %reduce_sum3A_290 = vector.multi_reduction <add>, %convert_element_type3A_288, %reduce_sum3A_289 [1] : vector<256x2304xi32> to vector<256xi32>
      %broadcast_in_dim3A_291 = vector.shape_cast %reduce_sum3A_290 : vector<256xi32> to vector<256x1xi32>
      %eq3A_292 = vector.broadcast %broadcast_in_dim3A_291 : vector<256x1xi32> to vector<256x256xi32>
      %eq3A_293 = vector.broadcast %iota3A_37 : vector<1x256xi32> to vector<256x256xi32>
      %eq3A_294 = arith.cmpi eq, %eq3A_292, %eq3A_293 : vector<256x256xi32>
      %broadcast_in_dim3A_295 = vector.shape_cast %add3A_276 : vector<256x1xi32> to vector<256x1xi32>
      %broadcast_in_dim3A_296 = vector.broadcast %broadcast_in_dim3A_295 : vector<256x1xi32> to vector<256x256xi32>
      %jit3A_297 = arith.constant 0 : i32
      %broadcast_in_dim3A_298 = vector.broadcast %jit3A_297 : i32 to vector<256x256xi32>
      %select_n3A_299 = arith.select %eq3A_294, %broadcast_in_dim3A_296, %broadcast_in_dim3A_298 : vector<256x256xi1>, vector<256x256xi32>
      %reduce_sum3A_300 = arith.constant dense<0> : vector<256xi32>
      %reduce_sum3A_301 = vector.multi_reduction <add>, %select_n3A_299, %reduce_sum3A_300 [0] : vector<256x256xi32> to vector<256xi32>
      %broadcast_in_dim3A_302 = vector.shape_cast %reduce_sum3A_301 : vector<256xi32> to vector<1x256xi32>
      %add3A_303 = arith.addi %add3A_269, %broadcast_in_dim3A_302 : vector<1x256xi32>
      %get3A_304 = arith.constant 2048 : index
      %get3A_305 = arith.constant 0 : index
      %get3A_306 = vector.load %arg7[%get3A_304, %get3A_305] : memref<2304x1xf32, #tpu.memory_space<vmem>>, vector<256x1xf32>
      %iota3A_307 = tpu.iota {dimensions = array<i32: 0>} : vector<256x1xi32>
      %add3A_308 = arith.constant 2048 : i32
      %add3A_309 = vector.broadcast %add3A_308 : i32 to vector<256x1xi32>
      %add3A_310 = arith.addi %iota3A_307, %add3A_309 : vector<256x1xi32>
      %gt3A_311 = vector.broadcast %get3A_36 : vector<1x2304xf32> to vector<256x2304xf32>
      %gt3A_312 = vector.broadcast %get3A_306 : vector<256x1xf32> to vector<256x2304xf32>
      %gt3A_313 = arith.cmpf ogt, %gt3A_311, %gt3A_312 : vector<256x2304xf32>
      %eq3A_314 = vector.broadcast %get3A_36 : vector<1x2304xf32> to vector<256x2304xf32>
      %eq3A_315 = vector.broadcast %get3A_306 : vector<256x1xf32> to vector<256x2304xf32>
      %eq3A_316 = arith.cmpf oeq, %eq3A_314, %eq3A_315 : vector<256x2304xf32>
      %lt3A_317 = vector.broadcast %iota3A : vector<1x2304xi32> to vector<256x2304xi32>
      %lt3A_318 = vector.broadcast %add3A_310 : vector<256x1xi32> to vector<256x2304xi32>
      %lt3A_319 = arith.cmpi slt, %lt3A_317, %lt3A_318 : vector<256x2304xi32>
      %and3A_320 = arith.andi %eq3A_316, %lt3A_319 : vector<256x2304xi1>
      %or3A_321 = arith.ori %gt3A_313, %and3A_320 : vector<256x2304xi1>
      %convert_element_type3A_322 = arith.extui %or3A_321 : vector<256x2304xi1> to vector<256x2304xi32>
      %reduce_sum3A_323 = arith.constant dense<0> : vector<256xi32>
      %reduce_sum3A_324 = vector.multi_reduction <add>, %convert_element_type3A_322, %reduce_sum3A_323 [1] : vector<256x2304xi32> to vector<256xi32>
      %broadcast_in_dim3A_325 = vector.shape_cast %reduce_sum3A_324 : vector<256xi32> to vector<256x1xi32>
      %eq3A_326 = vector.broadcast %broadcast_in_dim3A_325 : vector<256x1xi32> to vector<256x256xi32>
      %eq3A_327 = vector.broadcast %iota3A_37 : vector<1x256xi32> to vector<256x256xi32>
      %eq3A_328 = arith.cmpi eq, %eq3A_326, %eq3A_327 : vector<256x256xi32>
      %broadcast_in_dim3A_329 = vector.shape_cast %add3A_310 : vector<256x1xi32> to vector<256x1xi32>
      %broadcast_in_dim3A_330 = vector.broadcast %broadcast_in_dim3A_329 : vector<256x1xi32> to vector<256x256xi32>
      %jit3A_331 = arith.constant 0 : i32
      %broadcast_in_dim3A_332 = vector.broadcast %jit3A_331 : i32 to vector<256x256xi32>
      %select_n3A_333 = arith.select %eq3A_328, %broadcast_in_dim3A_330, %broadcast_in_dim3A_332 : vector<256x256xi1>, vector<256x256xi32>
      %reduce_sum3A_334 = arith.constant dense<0> : vector<256xi32>
      %reduce_sum3A_335 = vector.multi_reduction <add>, %select_n3A_333, %reduce_sum3A_334 [0] : vector<256x256xi32> to vector<256xi32>
      %broadcast_in_dim3A_336 = vector.shape_cast %reduce_sum3A_335 : vector<256xi32> to vector<1x256xi32>
      %add3A_337 = arith.addi %add3A_303, %broadcast_in_dim3A_336 : vector<1x256xi32>
      %mul3A_338 = arith.constant 2304 : i32
      %mul3A_339 = arith.muli %arg0, %mul3A_338 : i32
      %add3A_340 = vector.broadcast %mul3A_339 : i32 to vector<1x256xi32>
      %add3A_341 = arith.addi %add3A_337, %add3A_340 : vector<1x256xi32>
      %reshape3A = vector.shape_cast %add3A_341 : vector<1x256xi32> to vector<1x1x256xi32>
      %swap3A_342 = arith.constant 0 : index
      %swap3A_343 = arith.constant 0 : index
      %swap3A_344 = arith.constant 0 : index
      %swap3A_345 = vector.load %arg6[%swap3A_342, %swap3A_343, %swap3A_344] : memref<1x1x256xi32, #tpu.memory_space<vmem>>, vector<1x1x256xi32>
      tpu.vector_store %arg6[%swap3A_342, %swap3A_343, %swap3A_344], %reshape3A {strides = array<i32>} : memref<1x1x256xi32, #tpu.memory_space<vmem>>, vector<1x1x256xi32>,
    } else {
    }
    return
  }
  func.func @transform_0(%arg0: i32, %arg1: i32) -> (i32, i32, i32) {
    %c0_i32 = arith.constant 0 : i32
    %c0_i32_0 = arith.constant 0 : i32
    return %arg0, %arg1, %c0_i32 : i32, i32, i32
  }
  func.func @transform_1(%arg0: i32, %arg1: i32) -> (i32, i32) {
    %c0_i32 = arith.constant 0 : i32
    %c0_i32_0 = arith.constant 0 : i32
    %c0_i32_1 = arith.constant 0 : i32
    return %c0_i32, %c0_i32_0 : i32, i32
  }
  func.func @transform_2(%arg0: i32, %arg1: i32) -> (i32, i32) {
    %c0_i32 = arith.constant 0 : i32
    %c0_i32_0 = arith.constant 0 : i32
    %c0_i32_1 = arith.constant 0 : i32
    return %c0_i32, %c0_i32_0 : i32, i32
  }
  func.func @transform_3(%arg0: i32, %arg1: i32) -> (i32, i32) {
    %c0_i32 = arith.constant 0 : i32
    %c0_i32_0 = arith.constant 0 : i32
    %c0_i32_1 = arith.constant 0 : i32
    return %c0_i32, %c0_i32_0 : i32, i32
  }
  func.func @transform_4(%arg0: i32, %arg1: i32) -> (i32, i32, i32) {
    %c0_i32 = arith.constant 0 : i32
    %c0_i32_0 = arith.constant 0 : i32
    %c0_i32_1 = arith.constant 0 : i32
    return %arg0, %c0_i32, %c0_i32_0 : i32, i32, i32
  }
}

</mosaic_0001>

<sc_bundles>
// kernel: kernel.4.cloned.1.call-start
scs
__scs_entry_jumppad:
0x0: {  	(pc) =	sbr.rel $0x88, $3  }
0x1: {  	(tag) =	ssettag $0x0;
	lr =	simm.s32 $0x1  }
0x2: {  	[smem:$0x3F9D] =	sst lr;
	_ =	strace $0xD0000000  }
0x3: {  	_ = 	snop  }
0x4: {  	_ = 	snop  }
0x5: {  	_ = 	snop  }
0x6: {  	_ = 	snop  }
0x7: {  	_ = 	snop  }
__scs_overlays_trampoline_lowered:
0x8: {  	[smem:$0x3FAC] =	sst s0  }
0x9: {  	[smem:$0x3FAD] =	sst s1  }
0xa: {  	[smem:$0x3FAE] =	sst s2  }
0xb: {  	[smem:$0x3FAF] =	sst s3  }
0xc: {  	[smem:$0x3FB0] =	sst s4  }
0xd: {  	[smem:$0x3FB1] =	sst s5  }
0xe: {  	[smem:$0x3FB2] =	sst s6  }
0xf: {  	[smem:$0x3FB3] =	sst s7  }
0x10: {  	[smem:$0x3FB4] =	sst s8  }
0x11: {  	[smem:$0x3FB5] =	sst s9;
	s0 =	simm.s32 @!p0 $0x0  }
0x12: {  	s1 =	sld [smem:$0x3F9B];
	s0 =	simm.s32 @p0 $0x1  }
0x13: {  	[smem:$0x3FB6] =	sst s0;
	s0 =	simm.s32 @!p1 $0x0  }
0x14: {  	s2 =	sld [smem:$0x3F9A];
	s0 =	simm.s32 @p1 $0x1  }
0x15: {  	[smem:$0x3FB7] =	sst s0;
	s0 =	simm.s32 @!p2 $0x0  }
0x16: {  	s3 =	sld [smem:$0x3FDB];
	s0 =	simm.s32 @p2 $0x1  }
0x17: {  	s4 =	simm.s32 $0x1BF5;
	[smem:$0x3FB9] =	sst s0  }
0x18: {  	s0 =	sld [smem:$0x3F9C];
	_ =	swait.ge [sflag:s4], $0x0  }
0x19: {  	s7 =	sld [smem:$0x3F9D]  }
0x1a: {  	s8 =	sadd.s32 $0xFFFFE003, lr  }
0x1b: {  	s9 =	sadd.s32 $0xFFFFFEF7, lr;
	s5 =	simm.s32 $0xFFFFFFFF;
	p2 =	slt.u32 s8, $0xFFFFF086  }
0x1c: {  	p1 =	slt.u32 s9, $0xF7A;
	s5 =	simm.s32 @!p2 $0x0  }
0x1d: {  	s5 =	simm.s32 @p1 $0x1;
	p0 =	seq.s32 s7, s2  }
0x1e: {  	s7 =	smul.u32 @!p0 $0xF7A, s2;
	p2 =	seq.s32 @!p0 s5, $0x0  }
0x1f: {  	s9 =	smul.u32 $0xF7A, s1;
	s8 =	simm.s32 @!p0 $0x1BF5;
	p2 =	por !p2, p0  }
0x20: {  	[sflag:s8] =	ssyncset.s32 @!p0 $0xFFFFF086;
	s6 =	sadd.s32 @!p0 s3, s7;
	s7 =	simm.s32 @!p0 $0x108  }
0x21: {  	s3 =	sadd.s32 s3, s9;
	s6 =	sadd.s32 @!p0 $0x88, s6;
	s7 =	simm.s32 @p2 $0x1082  }
0x22: {  	[simem:s7], [sflag:s8] =	dma.local @!p0 [hbm:s6], $0xF7A  }
0x23: {  	s9 =	sor.u32 $0xD0000000, s2;
	s6 =	simm.s32 $0x108;
	_ =	swait.ge @!p0 [sflag:s8], $0x0  }
0x24: {  	s3 =	sadd.s32 $0x88, s3;
	s6 =	simm.s32 @!p1 $0x1082;
	[sflag:s4] =	ssyncset.s32 $0xFFFFF086  }
0x25: {  	[simem:s6], [sflag:s4] =	dma.local [hbm:s3], $0xF7A  }
0x26: {  	[smem:$0x3F9D] =	sst s1;
	(tag) =	ssettag s2;
	_ =	strace s9  }
0x27: {  	s1 =	sld [smem:$0x3FAD]  }
0x28: {  	s2 =	sld [smem:$0x3FAE]  }
0x29: {  	s4 =	sld [smem:$0x3FB0]  }
0x2a: {  	p0 =	seq.s32 s5, $0x0;
	s5 =	sld [smem:$0x3FB1]  }
0x2b: {  	s6 =	sld [smem:$0x3FB2]  }
0x2c: {  	s7 =	sld [smem:$0x3FB3]  }
0x2d: {  	s3 =	simm.s32 $0x108;
	s8 =	sld [smem:$0x3FB4]  }
0x2e: {  	s3 =	simm.s32 @!p0 $0x1082;
	s9 =	sld [smem:$0x3FB5]  }
0x2f: {  	lr =	sadd.s32 s0, s3;
	s0 =	sld [smem:$0x3FAC]  }
0x30: {  	s3 =	sld [smem:$0x3FAF]  }
0x31: {  	[smem:$0x3FB8] =	sst s10  }
0x32: {  	s10 =	sld [smem:$0x3FB6];
	_ =	sdelay $0x3  }
0x33: {  	p0 =	seq.s32 s10, $0x1;
	s10 =	sld [smem:$0x3FB8];
	_ =	sdelay $0x3  }
0x34: {  	[smem:$0x3FB8] =	sst s10  }
0x35: {  	s10 =	sld [smem:$0x3FB7];
	_ =	sdelay $0x3  }
0x36: {  	p1 =	seq.s32 s10, $0x1;
	s10 =	sld [smem:$0x3FB8];
	_ =	sdelay $0x3  }
0x37: {  	[smem:$0x3FB8] =	sst s10  }
0x38: {  	s10 =	sld [smem:$0x3FB9]  }
0x39: {  	_ = 	snop;
	(pc) =	sbr.ind lr, $3  }
0x3a: {  	_ = 	snop  }
0x3b: {  	_ = 	snop  }
0x3c: {  	p2 =	seq.s32 s10, $0x1;
	s10 =	sld [smem:$0x3FB8]  }
0x3d: {  	_ =	shalt  }
0x3e: {  	_ =	shalt  }
0x3f: {  	_ =	shalt  }
0x40: {  	_ =	shalt  }
0x41: {  	_ =	shalt  }
0x42: {  	_ =	shalt  }
0x43: {  	_ =	shalt  }
0x44: {  	_ =	shalt  }
0x45: {  	_ =	shalt  }
0x46: {  	_ =	shalt  }
0x47: {  	_ =	shalt  }
0x48: {  	_ =	shalt  }
0x49: {  	_ =	shalt  }
0x4a: {  	_ =	shalt  }
0x4b: {  	_ =	shalt  }
0x4c: {  	_ =	shalt  }
0x4d: {  	_ =	shalt  }
0x4e: {  	_ =	shalt  }
0x4f: {  	_ =	shalt  }
0x50: {  	_ =	shalt  }
0x51: {  	_ =	shalt  }
0x52: {  	_ =	shalt  }
0x53: {  	_ =	shalt  }
0x54: {  	_ =	shalt  }
0x55: {  	_ =	shalt  }
0x56: {  	_ =	shalt  }
0x57: {  	_ =	shalt  }
0x58: {  	_ =	shalt  }
0x59: {  	_ =	shalt  }
0x5a: {  	_ =	shalt  }
0x5b: {  	_ =	shalt  }
0x5c: {  	_ =	shalt  }
0x5d: {  	_ =	shalt  }
0x5e: {  	_ =	shalt  }
0x5f: {  	_ =	shalt  }
0x60: {  	_ =	shalt  }
0x61: {  	_ =	shalt  }
0x62: {  	_ =	shalt  }
0x63: {  	_ =	shalt  }
0x64: {  	_ =	shalt  }
0x65: {  	_ =	shalt  }
0x66: {  	_ =	shalt  }
0x67: {  	_ =	shalt  }
0x68: {  	_ =	shalt  }
0x69: {  	_ =	shalt  }
0x6a: {  	_ =	shalt  }
0x6b: {  	_ =	shalt  }
0x6c: {  	_ =	shalt  }
0x6d: {  	_ =	shalt  }
0x6e: {  	_ =	shalt  }
0x6f: {  	_ =	shalt  }
0x70: {  	_ =	shalt  }
0x71: {  	_ =	shalt  }
0x72: {  	_ =	shalt  }
0x73: {  	_ =	shalt  }
0x74: {  	_ =	shalt  }
0x75: {  	_ =	shalt  }
0x76: {  	_ =	shalt  }
0x77: {  	_ =	shalt  }
0x78: {  	_ =	shalt  }
0x79: {  	_ =	shalt  }
0x7a: {  	_ =	shalt  }
0x7b: {  	_ =	shalt  }
0x7c: {  	_ =	shalt  }
0x7d: {  	_ =	shalt  }
0x7e: {  	_ =	shalt  }
0x7f: {  	_ =	shalt  }
0x80: {  	_ =	shalt  }
0x81: {  	_ =	shalt  }
0x82: {  	_ =	shalt  }
0x83: {  	_ =	shalt  }
0x84: {  	_ =	shalt  }
0x85: {  	_ =	shalt  }
0x86: {  	_ =	shalt  }
0x87: {  	_ =	shalt  }
.Lfunc_end0:
.L_simem_size_0:
called_computation_lowered:
.L_overlay_start_0:
0x88: {  	s2 =	sld [smem:$0x3FD9]  }
0x89: {  	s3 =	sld [smem:$0x3FFE];
	_ =	sdelay $0x1  }
0x8a: {  	s1 =	srdreg.scid  }
0x8b: {  	s0 =	sand.u32 $0x1, s1  }
0x8c: {  	s17 =	sshll.u32 s0, $0xA;
	s2 =	sadd.s32 s3, s2  }
0x8d: {  	s2 =	sadd.s32 s2, s17  }
0x8e: {  	[smem:$0x3FC4] =	sst s2  }
0x8f: {  	_ = 	snop  }
0x90: {  	s2 =	sld [smem:$0x3FC9]  }
0x91: {  	s18 =	sld [smem:$0x3FD0];
	(tm) =	ssettm $0x1  }
0x92: {  	s4 =	sld [smem:$0x3FFB];
	_ =	sdelay $0x3  }
0x93: {  	_ =	strace s4  }
0x94: {  	s4 =	sld [smem:$0x3FFC];
	_ =	sdelay $0x3  }
0x95: {  	_ =	strace s4  }
0x96: {  	s4 =	sld [smem:$0x3FFD];
	_ =	sdelay $0x3  }
0x97: {  	_ =	strace s4  }
0x98: {  	_ =	strace $0x8FFFFFFF  }
0x99: {  	s19 =	sld [smem:$0x3FDB];
	_ =	sdelay $0x1  }
0x9a: {  	s5 =	simm.s32 $_scs_section_size  }
0x9b: {  	s6 =	simm.s32 $_size__tile_overlayer_lowered;
	s7 =	simm.s32 $_tile_overlayer_lowered  }
0x9c: {  	s22 =	simm.s32 $0x1BFF;
	s21 =	sshll.u32 s7, $0x1;
	s4 =	sadd.s32 s5, s19  }
0x9d: {  	s8 =	simm.s32 $0x0;
	s20 =	sshll.u32 s6, $0x1;
	s6 =	sadd.s32 s21, s4  }
0x9e: {  	[timem:s8], [sflag:s22] =	dma.local [hbm:s6], s20  }
0x9f: {  	_ =	swait.ge [sflag:s22], s20  }
0xa0: {  	s5 =	ssub.s32 $0x0, s20;
	[sflag:s22] =	ssyncset.done $0x0  }
0xa1: {  	[sflag:s22] =	ssyncadd.s32 s5;
	_ =	sdelay $0x1  }
0xa2: {  	s23 =	simm.s32 $0x1B8B  }
0xa3: {  	_ =	swait.ge [sflag:s23], $0x1  }
0xa4: {  	[sflag:s23] =	ssyncset.done $0x0  }
0xa5: {  	s25 =	simm.s32 $0x1B8E;
	s24 =	sld [smem:$0x3FFE];
	[sflag:s23] =	ssyncadd.s32 $0xFFFFFFFF  }
0xa6: {  	s26 =	simm.s32 $execute0_lowered;
	[smem:$0x3FD2] =	sst s25  }
0xa7: {  	s6 =	sshll.u32 s26, $0x1;
	_ =	strace $0x80000046;
	[dreg:$0x1] =	wrdreg $0xFFFFFFFF  }
0xa8: {  	s28 =	simm.s32 $_size_execute0_lowered;
	s4 =	sadd.s32 s4, s6;
	[dreg:$0x0] =	wrdreg $0x0  }
0xa9: {  	s6 =	sshll.u32 s28, $0x1;
	[dreg:$0x2] =	wrdreg s4  }
0xaa: {  	[dreg:$0x3] =	wrdreg s6  }
0xab: {  	[dreg:$0x4] =	wrdreg $0xC0  }
0xac: {  	_ =	task [dreg:s8], $0x5FFFF  }
0xad: {  	[dreg:$0x1] =	wrdreg $0xFFFFFFFF  }
0xae: {  	[dreg:$0x0] =	wrdreg $0x60  }
0xaf: {  	[dreg:$0x2] =	wrdreg s2  }
0xb0: {  	[dreg:$0x3] =	wrdreg s24  }
0xb1: {  	[dreg:$0x4] =	wrdreg s18  }
0xb2: {  	[dreg:$0x5] =	wrdreg $0x9  }
0xb3: {  	_ =	task.clear_ibuf [dreg:s8], $0x6FFFF;
	_ =	strace $0x90000046  }
0xb4: {  	s29 =	simm.s32 $0x9;
	_ =	strace $0x80000048  }
0xb5: {  	_ =	swait.ge [sflag:s29], $0x1  }
0xb6: {  	[sflag:s29] =	ssyncadd.s32 $0xFFFFFFFF  }
0xb7: {  	_ =	strace $0x90000048  }
0xb8: {  	_ =	sfence  }
0xb9: {  	s30 =	sld [smem:$0x0];
	_ =	sdelay $0x2  }
0xba: {  	s31 =	sshll.u32 s1, $0xD;
	s1 =	sshrl.u32 s1, $0x2  }
0xbb: {  	s3 =	sand.u32 $0x4000, s31;
	s1 =	sadd.s32 s1, s30  }
0xbc: {  	s0 =	sor.u32 s3, s0;
	s1 =	sshll.u32 s1, $0x11  }
0xbd: {  	s0 =	sor.u32 s1, s0  }
0xbe: {  	s0 =	sadd.s32 $0x8F2B, s0  }
0xbf: {  	[sflag:s0] =	ssyncadd.remote.s32 $0x1  }
0xc0: {  	_ =	sfence.sel $0xFFFF  }
0xc1: {  	[dreg:$0x0] =	wrdreg $0xFFFFFFFF;
	(pc) =	sbr.abs _section_cstart, $3  }
0xc2: {  	[dreg:$0x1] =	wrdreg $0xFFFFFFFF  }
0xc3: {  	_ =	task.clear_ibuf [dreg:s8], $0x2FFFF;
	_ =	strace $0x9FFFFFFF  }
0xc4: {  	(tm) =	ssettm $0x7FFFFFFF  }
0xc5: {  	_ =	shalt  }
tec
execute0_lowered:
.L_overlay_start_1:
0x0: {  	(tag) =	ssettag $0x1  }
0x1: {  	s1 =	rddreg [dreg:$0x0]  }
0x2: {  	s2 =	rddreg [dreg:$0x1]  }
0x3: {  	s0 =	rddreg [dreg:$0x2]  }
0x4: {  	s4 =	srdreg.scid;
	s3 =	simm.s32 $0x0;
	s5 =	stileid.u32  }
0x5: {  	s4 =	sand.u32 $0x1, s4;
	[smem:$0x7FF] =	sst s3;
	s5 =	sshll.u32 s5, $0xA  }
0x6: {  	s2 =	sadd.s32 $0xA00, s2;
	s6 =	sshll.u32 s4, $0x9;
	s4 =	ssub.s32 $0x2, s4  }
0x7: {  	_ =	strace $0x80000047;
	s6 =	sor.u32 s6, s5;
	s26 =	sshrl.u32 s4, $0x1  }
0x8: {  	s7 =	sshrl.u32 s6, $0x3;
	s8 =	sshll.u32 s6, $0x7;
	s9 =	sor.u32 $0x40, s6  }
0x9: {  	s10 =	sor.u32 $0x80, s6;
	s11 =	ssub.s32 s4, s26;
	s14 =	sor.u32 $0xC0, s6  }
0xa: {  	s19 =	sor.u32 $0x100, s6;
	s21 =	sor.u32 $0x140, s6;
	s26 =	sor.u32 $0x180, s6  }
0xb: {  	s6 =	sor.u32 $0x1C0, s6;
	s7 =	sadd.s32 s2, s7;
	s28 =	sadd.s32 s0, s8  }
0xc: {  	s29 =	sshrl.u32 s9, $0x3;
	s31 =	sshll.u32 s9, $0x7;
	s12 =	sshrl.u32 s10, $0x3  }
0xd: {  	s13 =	sshll.u32 s10, $0x7;
	s16 =	sshrl.u32 s14, $0x3;
	[dreg:$0x4] =	wrdreg s7  }
0xe: {  	s18 =	sshll.u32 s14, $0x7;
	[dreg:$0x5] =	wrdreg s28;
	s30 =	sadd.s32 s2, s29  }
0xf: {  	s20 =	sshrl.u32 s19, $0x3;
	s9 =	sadd.s32 s0, s31;
	[dreg:$0x6] =	wrdreg s30  }
0x10: {  	s23 =	sshrl.u32 s21, $0x3;
	s4 =	sadd.s32 s2, s12;
	[dreg:$0x7] =	wrdreg s9  }
0x11: {  	s25 =	sshll.u32 s21, $0x7;
	s15 =	sadd.s32 s0, s13;
	[dreg:$0x8] =	wrdreg s4  }
0x12: {  	s8 =	sshll.u32 s26, $0x7;
	s17 =	sadd.s32 s2, s16;
	[dreg:$0x9] =	wrdreg s15  }
0x13: {  	s14 =	smax.u32 s11, $0x1;
	s5 =	sadd.s32 s0, s18;
	[dreg:$0xa] =	wrdreg s17  }
0x14: {  	s7 =	sshll.u32 s19, $0x7;
	s24 =	sadd.s32 s2, s23;
	[dreg:$0xb] =	wrdreg s5  }
0x15: {  	s28 =	sshrl.u32 s26, $0x3;
	s29 =	sadd.s32 s0, s8;
	[dreg:$0xe] =	wrdreg s24  }
0x16: {  	s31 =	sshll.u32 s6, $0x7;
	s5 =	sadd.s32 s2, s20;
	[dreg:$0x11] =	wrdreg s29  }
0x17: {  	s8 =	simm.s32 $0x2;
	s22 =	sadd.s32 s0, s7;
	[dreg:$0xc] =	wrdreg s5  }
0x18: {  	s18 =	simm.s32 $0x1;
	s7 =	sadd.s32 s0, s25;
	[dreg:$0xd] =	wrdreg s22  }
0x19: {  	s4 =	sadd.s32 $0x100, s1;
	s0 =	sadd.s32 s0, s31;
	[dreg:$0xf] =	wrdreg s7  }
0x1a: {  	v2 =	vlaneseq.u32;
	s30 =	sshrl.u32 s6, $0x3;
	s7 =	sadd.s32 s2, s28;
	[dreg:$0x13] =	wrdreg s0  }
0x1b: {  	vm0 =	vmmov $0xffff;
	v1 =	vshrl.u32 v2, $0x3;
	s6 =	sadd.s32 $0x300, s1;
	s2 =	sadd.s32 s2, s30;
	[dreg:$0x10] =	wrdreg s7  }
0x1c: {  	v0 =	vand.u32 $0x7, v2;
	v2 =	vor.u32 $0x8, v2;
	v1 =	vmul.u32 $0x8, v1;
	s9 =	simm.s32 $0x80;
	s5 =	sadd.s32 $0x200, s1;
	[dreg:$0x12] =	wrdreg s2  }
.LBB2_1:
0x1d: {  	s19 =	rddreg [dreg:$0x4]  }
0x1e: {  	[tilespmem:s3], [sflag:$0x2] =	stream.linear.gather [hbm4b:s19+s3], $0x40, $0x38;
	[tilespmem:$0x10080] =	vst v63  }
0x1f: {  	_ =	swait.ge [sflag:s8], $0x40  }
0x20: {  	[sflag:s8] =	ssyncset.done $0x0  }
0x21: {  	[sflag:s8] =	ssyncadd.s32 $0xFFFFFFC0  }
0x22: {  	v3 =	vld [tilespmem:$0x0];
	_ =	sdelay $0x4  }
0x23: {  	v4 =	vshll.u32 v3, $0x3  }
0x24: {  	v3 =	vand.u32 $0x7, v3;
	v4 =	vand.u32 $0xFFFFFFC0, v4  }
0x25: {  	v3 =	vor.u32 v3, v4  }
0x26: {  	v4 =	vperm.xlane v3, v0;
	_ =	sdelay $0x1  }
0x27: {  	v4 =	vadd.s32 v1, v4;
	_ =	sdelay $0x4  }
0x28: {  	[tilespmem:s9], [sflag:$0x1] =	stream.indirect_vreg.gather [hbm4b:s1+s3], $0x80, v4, vm0, $0xb8;
	[tilespmem:$0x10080] =	vst v63  }
0x29: {  	s0 =	simm.s32 $0x880;
	v3 =	vperm.xlane v3, v2  }
0x2a: {  	[tilespmem:s0], [sflag:$0x1] =	stream.indirect_vreg.gather [hbm4b:s4+s3], $0x80, v4, vm0, $0xb8;
	[tilespmem:$0x10080] =	vst v63  }
0x2b: {  	s10 =	simm.s32 $0x1080;
	v3 =	vadd.s32 v1, v3  }
0x2c: {  	[tilespmem:s10], [sflag:$0x1] =	stream.indirect_vreg.gather [hbm4b:s5+s3], $0x80, v4, vm0, $0xb8;
	[tilespmem:$0x10080] =	vst v63  }
0x2d: {  	s11 =	simm.s32 $0x1880  }
0x2e: {  	[tilespmem:s11], [sflag:$0x1] =	stream.indirect_vreg.gather [hbm4b:s6+s3], $0x80, v4, vm0, $0xb8;
	[tilespmem:$0x10080] =	vst v63  }
0x2f: {  	s12 =	simm.s32 $0x2080  }
0x30: {  	[tilespmem:s12], [sflag:$0x1] =	stream.indirect_vreg.gather [hbm4b:s1+s3], $0x80, v3, vm0, $0xb8;
	[tilespmem:$0x10080] =	vst v63  }
0x31: {  	s13 =	simm.s32 $0x2880  }
0x32: {  	[tilespmem:s13], [sflag:$0x1] =	stream.indirect_vreg.gather [hbm4b:s4+s3], $0x80, v3, vm0, $0xb8;
	[tilespmem:$0x10080] =	vst v63  }
0x33: {  	s15 =	simm.s32 $0x3080  }
0x34: {  	[tilespmem:s15], [sflag:$0x1] =	stream.indirect_vreg.gather [hbm4b:s5+s3], $0x80, v3, vm0, $0xb8;
	[tilespmem:$0x10080] =	vst v63  }
0x35: {  	s19 =	simm.s32 $0x3880  }
0x36: {  	[tilespmem:s19], [sflag:$0x1] =	stream.indirect_vreg.gather [hbm4b:s6+s3], $0x80, v3, vm0, $0xb8;
	[tilespmem:$0x10080] =	vst v63  }
0x37: {  	v3 =	vld [tilespmem:$0x10];
	_ =	sdelay $0x4  }
0x38: {  	v33 =	vshll.u32 v3, $0x3  }
0x39: {  	v3 =	vand.u32 $0x7, v3;
	v4 =	vand.u32 $0xFFFFFFC0, v33  }
0x3a: {  	v3 =	vor.u32 v3, v4  }
0x3b: {  	v4 =	vperm.xlane v3, v0;
	_ =	sdelay $0x1  }
0x3c: {  	v4 =	vadd.s32 v1, v4;
	_ =	sdelay $0x3  }
0x3d: {  	s21 =	simm.s32 $0x4080  }
0x3e: {  	[tilespmem:s21], [sflag:$0x1] =	stream.indirect_vreg.gather [hbm4b:s1+s3], $0x80, v4, vm0, $0xb8;
	[tilespmem:$0x10080] =	vst v63  }
0x3f: {  	s22 =	simm.s32 $0x4880;
	v3 =	vperm.xlane v3, v2  }
0x40: {  	[tilespmem:s22], [sflag:$0x1] =	stream.indirect_vreg.gather [hbm4b:s4+s3], $0x80, v4, vm0, $0xb8;
	[tilespmem:$0x10080] =	vst v63  }
0x41: {  	s23 =	simm.s32 $0x5080;
	v3 =	vadd.s32 v1, v3  }
0x42: {  	[tilespmem:s23], [sflag:$0x1] =	stream.indirect_vreg.gather [hbm4b:s5+s3], $0x80, v4, vm0, $0xb8;
	[tilespmem:$0x10080] =	vst v63  }
0x43: {  	s24 =	simm.s32 $0x5880  }
0x44: {  	[tilespmem:s24], [sflag:$0x1] =	stream.indirect_vreg.gather [hbm4b:s6+s3], $0x80, v4, vm0, $0xb8;
	[tilespmem:$0x10080] =	vst v63  }
0x45: {  	s25 =	simm.s32 $0x6080  }
0x46: {  	[tilespmem:s25], [sflag:$0x1] =	stream.indirect_vreg.gather [hbm4b:s1+s3], $0x80, v3, vm0, $0xb8;
	[tilespmem:$0x10080] =	vst v63  }
0x47: {  	s26 =	simm.s32 $0x6880  }
0x48: {  	[tilespmem:s26], [sflag:$0x1] =	stream.indirect_vreg.gather [hbm4b:s4+s3], $0x80, v3, vm0, $0xb8;
	[tilespmem:$0x10080] =	vst v63  }
0x49: {  	s30 =	simm.s32 $0x7080  }
0x4a: {  	[tilespmem:s30], [sflag:$0x1] =	stream.indirect_vreg.gather [hbm4b:s5+s3], $0x80, v3, vm0, $0xb8;
	[tilespmem:$0x10080] =	vst v63  }
0x4b: {  	s10 =	simm.s32 $0x7880  }
0x4c: {  	[tilespmem:s10], [sflag:$0x1] =	stream.indirect_vreg.gather [hbm4b:s6+s3], $0x80, v3, vm0, $0xb8;
	[tilespmem:$0x10080] =	vst v63  }
0x4d: {  	v3 =	vld [tilespmem:$0x20];
	_ =	sdelay $0x4  }
0x4e: {  	v34 =	vshll.u32 v3, $0x3  }
0x4f: {  	v3 =	vand.u32 $0x7, v3;
	v4 =	vand.u32 $0xFFFFFFC0, v34  }
0x50: {  	v3 =	vor.u32 v3, v4  }
0x51: {  	v4 =	vperm.xlane v3, v0;
	_ =	sdelay $0x1  }
0x52: {  	v4 =	vadd.s32 v1, v4;
	_ =	sdelay $0x3  }
0x53: {  	s11 =	simm.s32 $0x8080  }
0x54: {  	[tilespmem:s11], [sflag:$0x1] =	stream.indirect_vreg.gather [hbm4b:s1+s3], $0x80, v4, vm0, $0xb8;
	[tilespmem:$0x10080] =	vst v63  }
0x55: {  	s12 =	simm.s32 $0x8880;
	v3 =	vperm.xlane v3, v2  }
0x56: {  	[tilespmem:s12], [sflag:$0x1] =	stream.indirect_vreg.gather [hbm4b:s4+s3], $0x80, v4, vm0, $0xb8;
	[tilespmem:$0x10080] =	vst v63  }
0x57: {  	s13 =	simm.s32 $0x9080;
	v3 =	vadd.s32 v1, v3  }
0x58: {  	[tilespmem:s13], [sflag:$0x1] =	stream.indirect_vreg.gather [hbm4b:s5+s3], $0x80, v4, vm0, $0xb8;
	[tilespmem:$0x10080] =	vst v63  }
0x59: {  	s15 =	simm.s32 $0x9880  }
0x5a: {  	[tilespmem:s15], [sflag:$0x1] =	stream.indirect_vreg.gather [hbm4b:s6+s3], $0x80, v4, vm0, $0xb8;
	[tilespmem:$0x10080] =	vst v63  }
0x5b: {  	s19 =	simm.s32 $0xA080  }
0x5c: {  	[tilespmem:s19], [sflag:$0x1] =	stream.indirect_vreg.gather [hbm4b:s1+s3], $0x80, v3, vm0, $0xb8;
	[tilespmem:$0x10080] =	vst v63  }
0x5d: {  	s22 =	simm.s32 $0xA880  }
0x5e: {  	[tilespmem:s22], [sflag:$0x1] =	stream.indirect_vreg.gather [hbm4b:s4+s3], $0x80, v3, vm0, $0xb8;
	[tilespmem:$0x10080] =	vst v63  }
0x5f: {  	s23 =	simm.s32 $0xB080  }
0x60: {  	[tilespmem:s23], [sflag:$0x1] =	stream.indirect_vreg.gather [hbm4b:s5+s3], $0x80, v3, vm0, $0xb8;
	[tilespmem:$0x10080] =	vst v63  }
0x61: {  	s24 =	simm.s32 $0xB880  }
0x62: {  	[tilespmem:s24], [sflag:$0x1] =	stream.indirect_vreg.gather [hbm4b:s6+s3], $0x80, v3, vm0, $0xb8;
	[tilespmem:$0x10080] =	vst v63  }
0x63: {  	v3 =	vld [tilespmem:$0x30];
	_ =	sdelay $0x4  }
0x64: {  	v35 =	vshll.u32 v3, $0x3  }
0x65: {  	v3 =	vand.u32 $0x7, v3;
	v4 =	vand.u32 $0xFFFFFFC0, v35  }
0x66: {  	v3 =	vor.u32 v3, v4  }
0x67: {  	v4 =	vperm.xlane v3, v0;
	_ =	sdelay $0x1  }
0x68: {  	v4 =	vadd.s32 v1, v4;
	_ =	sdelay $0x3  }
0x69: {  	s25 =	simm.s32 $0xC080  }
0x6a: {  	[tilespmem:s25], [sflag:$0x1] =	stream.indirect_vreg.gather [hbm4b:s1+s3], $0x80, v4, vm0, $0xb8;
	[tilespmem:$0x10080] =	vst v63  }
0x6b: {  	s26 =	simm.s32 $0xC880;
	v3 =	vperm.xlane v3, v2  }
0x6c: {  	[tilespmem:s26], [sflag:$0x1] =	stream.indirect_vreg.gather [hbm4b:s4+s3], $0x80, v4, vm0, $0xb8;
	[tilespmem:$0x10080] =	vst v63  }
0x6d: {  	s30 =	simm.s32 $0xD080;
	v3 =	vadd.s32 v1, v3  }
0x6e: {  	[tilespmem:s30], [sflag:$0x1] =	stream.indirect_vreg.gather [hbm4b:s5+s3], $0x80, v4, vm0, $0xb8;
	[tilespmem:$0x10080] =	vst v63  }
0x6f: {  	s0 =	simm.s32 $0xD880  }
0x70: {  	[tilespmem:s0], [sflag:$0x1] =	stream.indirect_vreg.gather [hbm4b:s6+s3], $0x80, v4, vm0, $0xb8;
	[tilespmem:$0x10080] =	vst v63  }
0x71: {  	s13 =	simm.s32 $0xE080  }
0x72: {  	[tilespmem:s13], [sflag:$0x1] =	stream.indirect_vreg.gather [hbm4b:s1+s3], $0x80, v3, vm0, $0xb8;
	[tilespmem:$0x10080] =	vst v63  }
0x73: {  	s24 =	simm.s32 $0xE880  }
0x74: {  	[tilespmem:s24], [sflag:$0x1] =	stream.indirect_vreg.gather [hbm4b:s4+s3], $0x80, v3, vm0, $0xb8;
	[tilespmem:$0x10080] =	vst v63  }
0x75: {  	s25 =	simm.s32 $0xF080  }
0x76: {  	[tilespmem:s25], [sflag:$0x1] =	stream.indirect_vreg.gather [hbm4b:s5+s3], $0x80, v3, vm0, $0xb8;
	[tilespmem:$0x10080] =	vst v63  }
0x77: {  	s26 =	simm.s32 $0xF880  }
0x78: {  	[tilespmem:s26], [sflag:$0x1] =	stream.indirect_vreg.gather [hbm4b:s6+s3], $0x80, v3, vm0, $0xb8;
	[tilespmem:$0x10080] =	vst v63  }
0x79: {  	_ =	swait.ge [sflag:s18], $0x10000  }
0x7a: {  	[sflag:s18] =	ssyncset.done $0x0  }
0x7b: {  	s30 =	rddreg [dreg:$0x5];
	[sflag:s18] =	ssyncadd.s32 $0xFFFF0000  }
0x7c: {  	[hbm4b:s30+s3] =	stream.linear.scatter [tilespmem:s9], [sflag:$0x2], $0x10000, $0x38;
	[tilespmem:$0x10080] =	vst v63  }
0x7d: {  	_ =	swait.ge [sflag:s8], $0x10000  }
0x7e: {  	[sflag:s8] =	ssyncset.done $0x0  }
0x7f: {  	s0 =	rddreg [dreg:$0x6];
	[sflag:s8] =	ssyncadd.s32 $0xFFFF0000  }
0x80: {  	[tilespmem:s3], [sflag:$0x2] =	stream.linear.gather [hbm4b:s0+s3], $0x40, $0x38;
	[tilespmem:$0x10080] =	vst v63  }
0x81: {  	_ =	swait.ge [sflag:s8], $0x40  }
0x82: {  	[sflag:s8] =	ssyncset.done $0x0  }
0x83: {  	[sflag:s8] =	ssyncadd.s32 $0xFFFFFFC0  }
0x84: {  	v3 =	vld [tilespmem:$0x0];
	_ =	sdelay $0x4  }
0x85: {  	v36 =	vshll.u32 v3, $0x3  }
0x86: {  	v3 =	vand.u32 $0x7, v3;
	v4 =	vand.u32 $0xFFFFFFC0, v36  }
0x87: {  	v3 =	vor.u32 v3, v4  }
0x88: {  	v4 =	vperm.xlane v3, v0;
	_ =	sdelay $0x1  }
0x89: {  	v4 =	vadd.s32 v1, v4;
	_ =	sdelay $0x4  }
0x8a: {  	[tilespmem:s9], [sflag:$0x1] =	stream.indirect_vreg.gather [hbm4b:s1+s3], $0x80, v4, vm0, $0xb8;
	[tilespmem:$0x10080] =	vst v63  }
0x8b: {  	s28 =	simm.s32 $0x880;
	v3 =	vperm.xlane v3, v2  }
0x8c: {  	[tilespmem:s28], [sflag:$0x1] =	stream.indirect_vreg.gather [hbm4b:s4+s3], $0x80, v4, vm0, $0xb8;
	[tilespmem:$0x10080] =	vst v63  }
0x8d: {  	s2 =	simm.s32 $0x1080;
	v3 =	vadd.s32 v1, v3  }
0x8e: {  	[tilespmem:s2], [sflag:$0x1] =	stream.indirect_vreg.gather [hbm4b:s5+s3], $0x80, v4, vm0, $0xb8;
	[tilespmem:$0x10080] =	vst v63  }
0x8f: {  	s7 =	simm.s32 $0x1880  }
0x90: {  	[tilespmem:s7], [sflag:$0x1] =	stream.indirect_vreg.gather [hbm4b:s6+s3], $0x80, v4, vm0, $0xb8;
	[tilespmem:$0x10080] =	vst v63  }
0x91: {  	s16 =	simm.s32 $0x2080  }
0x92: {  	[tilespmem:s16], [sflag:$0x1] =	stream.indirect_vreg.gather [hbm4b:s1+s3], $0x80, v3, vm0, $0xb8;
	[tilespmem:$0x10080] =	vst v63  }
0x93: {  	s17 =	simm.s32 $0x2880  }
0x94: {  	[tilespmem:s17], [sflag:$0x1] =	stream.indirect_vreg.gather [hbm4b:s4+s3], $0x80, v3, vm0, $0xb8;
	[tilespmem:$0x10080] =	vst v63  }
0x95: {  	s20 =	simm.s32 $0x3080  }
0x96: {  	[tilespmem:s20], [sflag:$0x1] =	stream.indirect_vreg.gather [hbm4b:s5+s3], $0x80, v3, vm0, $0xb8;
	[tilespmem:$0x10080] =	vst v63  }
0x97: {  	s29 =	simm.s32 $0x3880  }
0x98: {  	[tilespmem:s29], [sflag:$0x1] =	stream.indirect_vreg.gather [hbm4b:s6+s3], $0x80, v3, vm0, $0xb8;
	[tilespmem:$0x10080] =	vst v63  }
0x99: {  	v3 =	vld [tilespmem:$0x10];
	_ =	sdelay $0x4  }
0x9a: {  	v37 =	vshll.u32 v3, $0x3  }
0x9b: {  	v3 =	vand.u32 $0x7, v3;
	v4 =	vand.u32 $0xFFFFFFC0, v37  }
0x9c: {  	v3 =	vor.u32 v3, v4  }
0x9d: {  	v4 =	vperm.xlane v3, v0;
	_ =	sdelay $0x1  }
0x9e: {  	v4 =	vadd.s32 v1, v4;
	_ =	sdelay $0x3  }
0x9f: {  	s30 =	simm.s32 $0x4080  }
0xa0: {  	[tilespmem:s30], [sflag:$0x1] =	stream.indirect_vreg.gather [hbm4b:s1+s3], $0x80, v4, vm0, $0xb8;
	[tilespmem:$0x10080] =	vst v63  }
0xa1: {  	s31 =	simm.s32 $0x4880;
	v3 =	vperm.xlane v3, v2  }
0xa2: {  	[tilespmem:s31], [sflag:$0x1] =	stream.indirect_vreg.gather [hbm4b:s4+s3], $0x80, v4, vm0, $0xb8;
	[tilespmem:$0x10080] =	vst v63  }
0xa3: {  	s21 =	simm.s32 $0x5080;
	v3 =	vadd.s32 v1, v3  }
0xa4: {  	[tilespmem:s21], [sflag:$0x1] =	stream.indirect_vreg.gather [hbm4b:s5+s3], $0x80, v4, vm0, $0xb8;
	[tilespmem:$0x10080] =	vst v63  }
0xa5: {  	s31 =	simm.s32 $0x5880  }
0xa6: {  	[tilespmem:s31], [sflag:$0x1] =	stream.indirect_vreg.gather [hbm4b:s6+s3], $0x80, v4, vm0, $0xb8;
	[tilespmem:$0x10080] =	vst v63  }
0xa7: {  	s0 =	simm.s32 $0x6080  }
0xa8: {  	[tilespmem:s0], [sflag:$0x1] =	stream.indirect_vreg.gather [hbm4b:s1+s3], $0x80, v3, vm0, $0xb8;
	[tilespmem:$0x10080] =	vst v63  }
0xa9: {  	s2 =	simm.s32 $0x6880  }
0xaa: {  	[tilespmem:s2], [sflag:$0x1] =	stream.indirect_vreg.gather [hbm4b:s4+s3], $0x80, v3, vm0, $0xb8;
	[tilespmem:$0x10080] =	vst v63  }
0xab: {  	s7 =	simm.s32 $0x7080  }
0xac: {  	[tilespmem:s7], [sflag:$0x1] =	stream.indirect_vreg.gather [hbm4b:s5+s3], $0x80, v3, vm0, $0xb8;
	[tilespmem:$0x10080] =	vst v63  }
0xad: {  	s21 =	simm.s32 $0x7880  }
0xae: {  	[tilespmem:s21], [sflag:$0x1] =	stream.indirect_vreg.gather [hbm4b:s6+s3], $0x80, v3, vm0, $0xb8;
	[tilespmem:$0x10080] =	vst v63  }
0xaf: {  	v3 =	vld [tilespmem:$0x20];
	_ =	sdelay $0x4  }
0xb0: {  	v38 =	vshll.u32 v3, $0x3  }
0xb1: {  	v3 =	vand.u32 $0x7, v3;
	v4 =	vand.u32 $0xFFFFFFC0, v38  }
0xb2: {  	v3 =	vor.u32 v3, v4  }
0xb3: {  	v4 =	vperm.xlane v3, v0;
	_ =	sdelay $0x1  }
0xb4: {  	v4 =	vadd.s32 v1, v4;
	_ =	sdelay $0x3  }
0xb5: {  	s28 =	simm.s32 $0x8080  }
0xb6: {  	[tilespmem:s28], [sflag:$0x1] =	stream.indirect_vreg.gather [hbm4b:s1+s3], $0x80, v4, vm0, $0xb8;
	[tilespmem:$0x10080] =	vst v63  }
0xb7: {  	s29 =	simm.s32 $0x8880;
	v3 =	vperm.xlane v3, v2  }
0xb8: {  	[tilespmem:s29], [sflag:$0x1] =	stream.indirect_vreg.gather [hbm4b:s4+s3], $0x80, v4, vm0, $0xb8;
	[tilespmem:$0x10080] =	vst v63  }
0xb9: {  	s16 =	simm.s32 $0x9080;
	v3 =	vadd.s32 v1, v3  }
0xba: {  	[tilespmem:s16], [sflag:$0x1] =	stream.indirect_vreg.gather [hbm4b:s5+s3], $0x80, v4, vm0, $0xb8;
	[tilespmem:$0x10080] =	vst v63  }
0xbb: {  	s17 =	simm.s32 $0x9880  }
0xbc: {  	[tilespmem:s17], [sflag:$0x1] =	stream.indirect_vreg.gather [hbm4b:s6+s3], $0x80, v4, vm0, $0xb8;
	[tilespmem:$0x10080] =	vst v63  }
0xbd: {  	s20 =	simm.s32 $0xA080  }
0xbe: {  	[tilespmem:s20], [sflag:$0x1] =	stream.indirect_vreg.gather [hbm4b:s1+s3], $0x80, v3, vm0, $0xb8;
	[tilespmem:$0x10080] =	vst v63  }
0xbf: {  	s22 =	simm.s32 $0xA880  }
0xc0: {  	[tilespmem:s22], [sflag:$0x1] =	stream.indirect_vreg.gather [hbm4b:s4+s3], $0x80, v3, vm0, $0xb8;
	[tilespmem:$0x10080] =	vst v63  }
0xc1: {  	s15 =	simm.s32 $0xB080  }
0xc2: {  	[tilespmem:s15], [sflag:$0x1] =	stream.indirect_vreg.gather [hbm4b:s5+s3], $0x80, v3, vm0, $0xb8;
	[tilespmem:$0x10080] =	vst v63  }
0xc3: {  	s10 =	simm.s32 $0xB880  }
0xc4: {  	[tilespmem:s10], [sflag:$0x1] =	stream.indirect_vreg.gather [hbm4b:s6+s3], $0x80, v3, vm0, $0xb8;
	[tilespmem:$0x10080] =	vst v63  }
0xc5: {  	v3 =	vld [tilespmem:$0x30];
	_ =	sdelay $0x4  }
0xc6: {  	v39 =	vshll.u32 v3, $0x3  }
0xc7: {  	v3 =	vand.u32 $0x7, v3;
	v4 =	vand.u32 $0xFFFFFFC0, v39  }
0xc8: {  	v3 =	vor.u32 v3, v4  }
0xc9: {  	v4 =	vperm.xlane v3, v0;
	_ =	sdelay $0x1  }
0xca: {  	v4 =	vadd.s32 v1, v4;
	_ =	sdelay $0x3  }
0xcb: {  	s11 =	simm.s32 $0xC080  }
0xcc: {  	[tilespmem:s11], [sflag:$0x1] =	stream.indirect_vreg.gather [hbm4b:s1+s3], $0x80, v4, vm0, $0xb8;
	[tilespmem:$0x10080] =	vst v63  }
0xcd: {  	s12 =	simm.s32 $0xC880;
	v3 =	vperm.xlane v3, v2  }
0xce: {  	[tilespmem:s12], [sflag:$0x1] =	stream.indirect_vreg.gather [hbm4b:s4+s3], $0x80, v4, vm0, $0xb8;
	[tilespmem:$0x10080] =	vst v63  }
0xcf: {  	v3 =	vadd.s32 v1, v3;
	s12 =	simm.s32 $0xD080  }
0xd0: {  	[tilespmem:s12], [sflag:$0x1] =	stream.indirect_vreg.gather [hbm4b:s5+s3], $0x80, v4, vm0, $0xb8;
	[tilespmem:$0x10080] =	vst v63  }
0xd1: {  	s23 =	simm.s32 $0xD880  }
0xd2: {  	[tilespmem:s23], [sflag:$0x1] =	stream.indirect_vreg.gather [hbm4b:s6+s3], $0x80, v4, vm0, $0xb8;
	[tilespmem:$0x10080] =	vst v63  }
0xd3: {  	s19 =	simm.s32 $0xE080  }
0xd4: {  	[tilespmem:s19], [sflag:$0x1] =	stream.indirect_vreg.gather [hbm4b:s1+s3], $0x80, v3, vm0, $0xb8;
	[tilespmem:$0x10080] =	vst v63  }
0xd5: {  	s22 =	simm.s32 $0xE880  }
0xd6: {  	[tilespmem:s22], [sflag:$0x1] =	stream.indirect_vreg.gather [hbm4b:s4+s3], $0x80, v3, vm0, $0xb8;
	[tilespmem:$0x10080] =	vst v63  }
0xd7: {  	s23 =	simm.s32 $0xF080  }
0xd8: {  	[tilespmem:s23], [sflag:$0x1] =	stream.indirect_vreg.gather [hbm4b:s5+s3], $0x80, v3, vm0, $0xb8;
	[tilespmem:$0x10080] =	vst v63  }
0xd9: {  	s13 =	simm.s32 $0xF880  }
0xda: {  	[tilespmem:s13], [sflag:$0x1] =	stream.indirect_vreg.gather [hbm4b:s6+s3], $0x80, v3, vm0, $0xb8;
	[tilespmem:$0x10080] =	vst v63  }
0xdb: {  	_ =	swait.ge [sflag:s18], $0x10000  }
0xdc: {  	[sflag:s18] =	ssyncset.done $0x0  }
0xdd: {  	s19 =	rddreg [dreg:$0x7];
	[sflag:s18] =	ssyncadd.s32 $0xFFFF0000  }
0xde: {  	[hbm4b:s19+s3] =	stream.linear.scatter [tilespmem:s9], [sflag:$0x2], $0x10000, $0x38;
	[tilespmem:$0x10080] =	vst v63  }
0xdf: {  	_ =	swait.ge [sflag:s8], $0x10000  }
0xe0: {  	[sflag:s8] =	ssyncset.done $0x0  }
0xe1: {  	s19 =	rddreg [dreg:$0x8];
	[sflag:s8] =	ssyncadd.s32 $0xFFFF0000  }
0xe2: {  	[tilespmem:s3], [sflag:$0x2] =	stream.linear.gather [hbm4b:s19+s3], $0x40, $0x38;
	[tilespmem:$0x10080] =	vst v63  }
0xe3: {  	_ =	swait.ge [sflag:s8], $0x40  }
0xe4: {  	[sflag:s8] =	ssyncset.done $0x0  }
0xe5: {  	[sflag:s8] =	ssyncadd.s32 $0xFFFFFFC0  }
0xe6: {  	v3 =	vld [tilespmem:$0x0];
	_ =	sdelay $0x4  }
0xe7: {  	v40 =	vshll.u32 v3, $0x3  }
0xe8: {  	v3 =	vand.u32 $0x7, v3;
	v4 =	vand.u32 $0xFFFFFFC0, v40  }
0xe9: {  	v3 =	vor.u32 v3, v4  }
0xea: {  	v4 =	vperm.xlane v3, v0;
	_ =	sdelay $0x1  }
0xeb: {  	v4 =	vadd.s32 v1, v4;
	_ =	sdelay $0x4  }
0xec: {  	[tilespmem:s9], [sflag:$0x1] =	stream.indirect_vreg.gather [hbm4b:s1+s3], $0x80, v4, vm0, $0xb8;
	[tilespmem:$0x10080] =	vst v63  }
0xed: {  	s19 =	simm.s32 $0x880;
	v3 =	vperm.xlane v3, v2  }
0xee: {  	[tilespmem:s19], [sflag:$0x1] =	stream.indirect_vreg.gather [hbm4b:s4+s3], $0x80, v4, vm0, $0xb8;
	[tilespmem:$0x10080] =	vst v63  }
0xef: {  	s25 =	simm.s32 $0x1080;
	v3 =	vadd.s32 v1, v3  }
0xf0: {  	[tilespmem:s25], [sflag:$0x1] =	stream.indirect_vreg.gather [hbm4b:s5+s3], $0x80, v4, vm0, $0xb8;
	[tilespmem:$0x10080] =	vst v63  }
0xf1: {  	s26 =	simm.s32 $0x1880  }
0xf2: {  	[tilespmem:s26], [sflag:$0x1] =	stream.indirect_vreg.gather [hbm4b:s6+s3], $0x80, v4, vm0, $0xb8;
	[tilespmem:$0x10080] =	vst v63  }
0xf3: {  	s26 =	simm.s32 $0x2080  }
0xf4: {  	[tilespmem:s26], [sflag:$0x1] =	stream.indirect_vreg.gather [hbm4b:s1+s3], $0x80, v3, vm0, $0xb8;
	[tilespmem:$0x10080] =	vst v63  }
0xf5: {  	s26 =	simm.s32 $0x2880  }
0xf6: {  	[tilespmem:s26], [sflag:$0x1] =	stream.indirect_vreg.gather [hbm4b:s4+s3], $0x80, v3, vm0, $0xb8;
	[tilespmem:$0x10080] =	vst v63  }
0xf7: {  	s26 =	simm.s32 $0x3080  }
0xf8: {  	[tilespmem:s26], [sflag:$0x1] =	stream.indirect_vreg.gather [hbm4b:s5+s3], $0x80, v3, vm0, $0xb8;
	[tilespmem:$0x10080] =	vst v63  }
0xf9: {  	s26 =	simm.s32 $0x3880  }
0xfa: {  	[tilespmem:s26], [sflag:$0x1] =	stream.indirect_vreg.gather [hbm4b:s6+s3], $0x80, v3, vm0, $0xb8;
	[tilespmem:$0x10080] =	vst v63  }
0xfb: {  	v3 =	vld [tilespmem:$0x10];
	_ =	sdelay $0x4  }
0xfc: {  	v41 =	vshll.u32 v3, $0x3  }
0xfd: {  	v3 =	vand.u32 $0x7, v3;
	v4 =	vand.u32 $0xFFFFFFC0, v41  }
0xfe: {  	v3 =	vor.u32 v3, v4  }
0xff: {  	v4 =	vperm.xlane v3, v0;
	_ =	sdelay $0x1  }
0x100: {  	v4 =	vadd.s32 v1, v4;
	_ =	sdelay $0x4  }
0x101: {  	[tilespmem:s30], [sflag:$0x1] =	stream.indirect_vreg.gather [hbm4b:s1+s3], $0x80, v4, vm0, $0xb8;
	[tilespmem:$0x10080] =	vst v63  }
0x102: {  	s26 =	simm.s32 $0x4880;
	v3 =	vperm.xlane v3, v2  }
0x103: {  	[tilespmem:s26], [sflag:$0x1] =	stream.indirect_vreg.gather [hbm4b:s4+s3], $0x80, v4, vm0, $0xb8;
	[tilespmem:$0x10080] =	vst v63  }
0x104: {  	v3 =	vadd.s32 v1, v3;
	s26 =	simm.s32 $0x5080  }
0x105: {  	[tilespmem:s26], [sflag:$0x1] =	stream.indirect_vreg.gather [hbm4b:s5+s3], $0x80, v4, vm0, $0xb8;
	[tilespmem:$0x10080] =	vst v63  }
0x106: {  	_ = 	snop  }
0x107: {  	[tilespmem:s31], [sflag:$0x1] =	stream.indirect_vreg.gather [hbm4b:s6+s3], $0x80, v4, vm0, $0xb8;
	[tilespmem:$0x10080] =	vst v63  }
0x108: {  	_ = 	snop  }
0x109: {  	[tilespmem:s0], [sflag:$0x1] =	stream.indirect_vreg.gather [hbm4b:s1+s3], $0x80, v3, vm0, $0xb8;
	[tilespmem:$0x10080] =	vst v63  }
0x10a: {  	_ = 	snop  }
0x10b: {  	[tilespmem:s2], [sflag:$0x1] =	stream.indirect_vreg.gather [hbm4b:s4+s3], $0x80, v3, vm0, $0xb8;
	[tilespmem:$0x10080] =	vst v63  }
0x10c: {  	_ = 	snop  }
0x10d: {  	[tilespmem:s7], [sflag:$0x1] =	stream.indirect_vreg.gather [hbm4b:s5+s3], $0x80, v3, vm0, $0xb8;
	[tilespmem:$0x10080] =	vst v63  }
0x10e: {  	_ = 	snop  }
0x10f: {  	[tilespmem:s21], [sflag:$0x1] =	stream.indirect_vreg.gather [hbm4b:s6+s3], $0x80, v3, vm0, $0xb8;
	[tilespmem:$0x10080] =	vst v63  }
0x110: {  	v3 =	vld [tilespmem:$0x20];
	_ =	sdelay $0x4  }
0x111: {  	v42 =	vshll.u32 v3, $0x3  }
0x112: {  	v3 =	vand.u32 $0x7, v3;
	v4 =	vand.u32 $0xFFFFFFC0, v42  }
0x113: {  	v3 =	vor.u32 v3, v4  }
0x114: {  	v4 =	vperm.xlane v3, v0;
	_ =	sdelay $0x1  }
0x115: {  	v4 =	vadd.s32 v1, v4;
	_ =	sdelay $0x4  }
0x116: {  	[tilespmem:s28], [sflag:$0x1] =	stream.indirect_vreg.gather [hbm4b:s1+s3], $0x80, v4, vm0, $0xb8;
	[tilespmem:$0x10080] =	vst v63  }
0x117: {  	v3 =	vperm.xlane v3, v2  }
0x118: {  	[tilespmem:s29], [sflag:$0x1] =	stream.indirect_vreg.gather [hbm4b:s4+s3], $0x80, v4, vm0, $0xb8;
	[tilespmem:$0x10080] =	vst v63  }
0x119: {  	v3 =	vadd.s32 v1, v3  }
0x11a: {  	[tilespmem:s16], [sflag:$0x1] =	stream.indirect_vreg.gather [hbm4b:s5+s3], $0x80, v4, vm0, $0xb8;
	[tilespmem:$0x10080] =	vst v63  }
0x11b: {  	_ = 	snop  }
0x11c: {  	[tilespmem:s17], [sflag:$0x1] =	stream.indirect_vreg.gather [hbm4b:s6+s3], $0x80, v4, vm0, $0xb8;
	[tilespmem:$0x10080] =	vst v63  }
0x11d: {  	_ = 	snop  }
0x11e: {  	[tilespmem:s20], [sflag:$0x1] =	stream.indirect_vreg.gather [hbm4b:s1+s3], $0x80, v3, vm0, $0xb8;
	[tilespmem:$0x10080] =	vst v63  }
0x11f: {  	s24 =	simm.s32 $0xA880  }
0x120: {  	[tilespmem:s24], [sflag:$0x1] =	stream.indirect_vreg.gather [hbm4b:s4+s3], $0x80, v3, vm0, $0xb8;
	[tilespmem:$0x10080] =	vst v63  }
0x121: {  	s15 =	simm.s32 $0xB080  }
0x122: {  	[tilespmem:s15], [sflag:$0x1] =	stream.indirect_vreg.gather [hbm4b:s5+s3], $0x80, v3, vm0, $0xb8;
	[tilespmem:$0x10080] =	vst v63  }
0x123: {  	s29 =	simm.s32 $0xB880  }
0x124: {  	[tilespmem:s29], [sflag:$0x1] =	stream.indirect_vreg.gather [hbm4b:s6+s3], $0x80, v3, vm0, $0xb8;
	[tilespmem:$0x10080] =	vst v63  }
0x125: {  	v3 =	vld [tilespmem:$0x30];
	_ =	sdelay $0x4  }
0x126: {  	v43 =	vshll.u32 v3, $0x3  }
0x127: {  	v3 =	vand.u32 $0x7, v3;
	v4 =	vand.u32 $0xFFFFFFC0, v43  }
0x128: {  	v3 =	vor.u32 v3, v4  }
0x129: {  	v4 =	vperm.xlane v3, v0;
	_ =	sdelay $0x1  }
0x12a: {  	v4 =	vadd.s32 v1, v4;
	_ =	sdelay $0x3  }
0x12b: {  	s20 =	simm.s32 $0xC080  }
0x12c: {  	[tilespmem:s20], [sflag:$0x1] =	stream.indirect_vreg.gather [hbm4b:s1+s3], $0x80, v4, vm0, $0xb8;
	[tilespmem:$0x10080] =	vst v63  }
0x12d: {  	v3 =	vperm.xlane v3, v2;
	s20 =	simm.s32 $0xC880  }
0x12e: {  	[tilespmem:s20], [sflag:$0x1] =	stream.indirect_vreg.gather [hbm4b:s4+s3], $0x80, v4, vm0, $0xb8;
	[tilespmem:$0x10080] =	vst v63  }
0x12f: {  	s10 =	simm.s32 $0xD080;
	v3 =	vadd.s32 v1, v3  }
0x130: {  	[tilespmem:s10], [sflag:$0x1] =	stream.indirect_vreg.gather [hbm4b:s5+s3], $0x80, v4, vm0, $0xb8;
	[tilespmem:$0x10080] =	vst v63  }
0x131: {  	s11 =	simm.s32 $0xD880  }
0x132: {  	[tilespmem:s11], [sflag:$0x1] =	stream.indirect_vreg.gather [hbm4b:s6+s3], $0x80, v4, vm0, $0xb8;
	[tilespmem:$0x10080] =	vst v63  }
0x133: {  	s12 =	simm.s32 $0xE080  }
0x134: {  	[tilespmem:s12], [sflag:$0x1] =	stream.indirect_vreg.gather [hbm4b:s1+s3], $0x80, v3, vm0, $0xb8;
	[tilespmem:$0x10080] =	vst v63  }
0x135: {  	s22 =	simm.s32 $0xE880  }
0x136: {  	[tilespmem:s22], [sflag:$0x1] =	stream.indirect_vreg.gather [hbm4b:s4+s3], $0x80, v3, vm0, $0xb8;
	[tilespmem:$0x10080] =	vst v63  }
0x137: {  	s23 =	simm.s32 $0xF080  }
0x138: {  	[tilespmem:s23], [sflag:$0x1] =	stream.indirect_vreg.gather [hbm4b:s5+s3], $0x80, v3, vm0, $0xb8;
	[tilespmem:$0x10080] =	vst v63  }
0x139: {  	s13 =	simm.s32 $0xF880  }
0x13a: {  	[tilespmem:s13], [sflag:$0x1] =	stream.indirect_vreg.gather [hbm4b:s6+s3], $0x80, v3, vm0, $0xb8;
	[tilespmem:$0x10080] =	vst v63  }
0x13b: {  	_ =	swait.ge [sflag:s18], $0x10000  }
0x13c: {  	[sflag:s18] =	ssyncset.done $0x0  }
0x13d: {  	s23 =	rddreg [dreg:$0x9];
	[sflag:s18] =	ssyncadd.s32 $0xFFFF0000  }
0x13e: {  	[hbm4b:s23+s3] =	stream.linear.scatter [tilespmem:s9], [sflag:$0x2], $0x10000, $0x38;
	[tilespmem:$0x10080] =	vst v63  }
0x13f: {  	_ =	swait.ge [sflag:s8], $0x10000  }
0x140: {  	[sflag:s8] =	ssyncset.done $0x0  }
0x141: {  	s23 =	rddreg [dreg:$0xa];
	[sflag:s8] =	ssyncadd.s32 $0xFFFF0000  }
0x142: {  	[tilespmem:s3], [sflag:$0x2] =	stream.linear.gather [hbm4b:s23+s3], $0x40, $0x38;
	[tilespmem:$0x10080] =	vst v63  }
0x143: {  	_ =	swait.ge [sflag:s8], $0x40  }
0x144: {  	[sflag:s8] =	ssyncset.done $0x0  }
0x145: {  	[sflag:s8] =	ssyncadd.s32 $0xFFFFFFC0  }
0x146: {  	v3 =	vld [tilespmem:$0x0];
	_ =	sdelay $0x4  }
0x147: {  	v44 =	vshll.u32 v3, $0x3  }
0x148: {  	v3 =	vand.u32 $0x7, v3;
	v4 =	vand.u32 $0xFFFFFFC0, v44  }
0x149: {  	v3 =	vor.u32 v3, v4  }
0x14a: {  	v4 =	vperm.xlane v3, v0;
	_ =	sdelay $0x1  }
0x14b: {  	v4 =	vadd.s32 v1, v4;
	_ =	sdelay $0x4  }
0x14c: {  	[tilespmem:s9], [sflag:$0x1] =	stream.indirect_vreg.gather [hbm4b:s1+s3], $0x80, v4, vm0, $0xb8;
	[tilespmem:$0x10080] =	vst v63  }
0x14d: {  	s23 =	simm.s32 $0x880;
	v3 =	vperm.xlane v3, v2  }
0x14e: {  	[tilespmem:s23], [sflag:$0x1] =	stream.indirect_vreg.gather [hbm4b:s4+s3], $0x80, v4, vm0, $0xb8;
	[tilespmem:$0x10080] =	vst v63  }
0x14f: {  	s25 =	simm.s32 $0x1080;
	v3 =	vadd.s32 v1, v3  }
0x150: {  	[tilespmem:s25], [sflag:$0x1] =	stream.indirect_vreg.gather [hbm4b:s5+s3], $0x80, v4, vm0, $0xb8;
	[tilespmem:$0x10080] =	vst v63  }
0x151: {  	s25 =	simm.s32 $0x1880  }
0x152: {  	[tilespmem:s25], [sflag:$0x1] =	stream.indirect_vreg.gather [hbm4b:s6+s3], $0x80, v4, vm0, $0xb8;
	[tilespmem:$0x10080] =	vst v63  }
0x153: {  	s25 =	simm.s32 $0x2080  }
0x154: {  	[tilespmem:s25], [sflag:$0x1] =	stream.indirect_vreg.gather [hbm4b:s1+s3], $0x80, v3, vm0, $0xb8;
	[tilespmem:$0x10080] =	vst v63  }
0x155: {  	s25 =	simm.s32 $0x2880  }
0x156: {  	[tilespmem:s25], [sflag:$0x1] =	stream.indirect_vreg.gather [hbm4b:s4+s3], $0x80, v3, vm0, $0xb8;
	[tilespmem:$0x10080] =	vst v63  }
0x157: {  	s25 =	simm.s32 $0x3080  }
0x158: {  	[tilespmem:s25], [sflag:$0x1] =	stream.indirect_vreg.gather [hbm4b:s5+s3], $0x80, v3, vm0, $0xb8;
	[tilespmem:$0x10080] =	vst v63  }
0x159: {  	s25 =	simm.s32 $0x3880  }
0x15a: {  	[tilespmem:s25], [sflag:$0x1] =	stream.indirect_vreg.gather [hbm4b:s6+s3], $0x80, v3, vm0, $0xb8;
	[tilespmem:$0x10080] =	vst v63  }
0x15b: {  	v3 =	vld [tilespmem:$0x10];
	_ =	sdelay $0x4  }
0x15c: {  	v45 =	vshll.u32 v3, $0x3  }
0x15d: {  	v3 =	vand.u32 $0x7, v3;
	v4 =	vand.u32 $0xFFFFFFC0, v45  }
0x15e: {  	v3 =	vor.u32 v3, v4  }
0x15f: {  	v4 =	vperm.xlane v3, v0;
	_ =	sdelay $0x1  }
0x160: {  	v4 =	vadd.s32 v1, v4;
	_ =	sdelay $0x3  }
0x161: {  	s30 =	simm.s32 $0x4080  }
0x162: {  	[tilespmem:s30], [sflag:$0x1] =	stream.indirect_vreg.gather [hbm4b:s1+s3], $0x80, v4, vm0, $0xb8;
	[tilespmem:$0x10080] =	vst v63  }
0x163: {  	v3 =	vperm.xlane v3, v2;
	s30 =	simm.s32 $0x4880  }
0x164: {  	[tilespmem:s30], [sflag:$0x1] =	stream.indirect_vreg.gather [hbm4b:s4+s3], $0x80, v4, vm0, $0xb8;
	[tilespmem:$0x10080] =	vst v63  }
0x165: {  	v3 =	vadd.s32 v1, v3;
	s30 =	simm.s32 $0x5080  }
0x166: {  	[tilespmem:s30], [sflag:$0x1] =	stream.indirect_vreg.gather [hbm4b:s5+s3], $0x80, v4, vm0, $0xb8;
	[tilespmem:$0x10080] =	vst v63  }
0x167: {  	s31 =	simm.s32 $0x5880  }
0x168: {  	[tilespmem:s31], [sflag:$0x1] =	stream.indirect_vreg.gather [hbm4b:s6+s3], $0x80, v4, vm0, $0xb8;
	[tilespmem:$0x10080] =	vst v63  }
0x169: {  	s0 =	simm.s32 $0x6080  }
0x16a: {  	[tilespmem:s0], [sflag:$0x1] =	stream.indirect_vreg.gather [hbm4b:s1+s3], $0x80, v3, vm0, $0xb8;
	[tilespmem:$0x10080] =	vst v63  }
0x16b: {  	s2 =	simm.s32 $0x6880  }
0x16c: {  	[tilespmem:s2], [sflag:$0x1] =	stream.indirect_vreg.gather [hbm4b:s4+s3], $0x80, v3, vm0, $0xb8;
	[tilespmem:$0x10080] =	vst v63  }
0x16d: {  	s7 =	simm.s32 $0x7080  }
0x16e: {  	[tilespmem:s7], [sflag:$0x1] =	stream.indirect_vreg.gather [hbm4b:s5+s3], $0x80, v3, vm0, $0xb8;
	[tilespmem:$0x10080] =	vst v63  }
0x16f: {  	s30 =	simm.s32 $0x7880  }
0x170: {  	[tilespmem:s30], [sflag:$0x1] =	stream.indirect_vreg.gather [hbm4b:s6+s3], $0x80, v3, vm0, $0xb8;
	[tilespmem:$0x10080] =	vst v63  }
0x171: {  	v3 =	vld [tilespmem:$0x20];
	_ =	sdelay $0x4  }
0x172: {  	v46 =	vshll.u32 v3, $0x3  }
0x173: {  	v3 =	vand.u32 $0x7, v3;
	v4 =	vand.u32 $0xFFFFFFC0, v46  }
0x174: {  	v3 =	vor.u32 v3, v4  }
0x175: {  	v4 =	vperm.xlane v3, v0;
	_ =	sdelay $0x1  }
0x176: {  	v4 =	vadd.s32 v1, v4;
	_ =	sdelay $0x3  }
0x177: {  	s21 =	simm.s32 $0x8080  }
0x178: {  	[tilespmem:s21], [sflag:$0x1] =	stream.indirect_vreg.gather [hbm4b:s1+s3], $0x80, v4, vm0, $0xb8;
	[tilespmem:$0x10080] =	vst v63  }
0x179: {  	s26 =	simm.s32 $0x8880;
	v3 =	vperm.xlane v3, v2  }
0x17a: {  	[tilespmem:s26], [sflag:$0x1] =	stream.indirect_vreg.gather [hbm4b:s4+s3], $0x80, v4, vm0, $0xb8;
	[tilespmem:$0x10080] =	vst v63  }
0x17b: {  	s16 =	simm.s32 $0x9080;
	v3 =	vadd.s32 v1, v3  }
0x17c: {  	[tilespmem:s16], [sflag:$0x1] =	stream.indirect_vreg.gather [hbm4b:s5+s3], $0x80, v4, vm0, $0xb8;
	[tilespmem:$0x10080] =	vst v63  }
0x17d: {  	s28 =	simm.s32 $0x9880  }
0x17e: {  	[tilespmem:s28], [sflag:$0x1] =	stream.indirect_vreg.gather [hbm4b:s6+s3], $0x80, v4, vm0, $0xb8;
	[tilespmem:$0x10080] =	vst v63  }
0x17f: {  	s17 =	simm.s32 $0xA080  }
0x180: {  	[tilespmem:s17], [sflag:$0x1] =	stream.indirect_vreg.gather [hbm4b:s1+s3], $0x80, v3, vm0, $0xb8;
	[tilespmem:$0x10080] =	vst v63  }
0x181: {  	s24 =	simm.s32 $0xA880  }
0x182: {  	[tilespmem:s24], [sflag:$0x1] =	stream.indirect_vreg.gather [hbm4b:s4+s3], $0x80, v3, vm0, $0xb8;
	[tilespmem:$0x10080] =	vst v63  }
0x183: {  	s15 =	simm.s32 $0xB080  }
0x184: {  	[tilespmem:s15], [sflag:$0x1] =	stream.indirect_vreg.gather [hbm4b:s5+s3], $0x80, v3, vm0, $0xb8;
	[tilespmem:$0x10080] =	vst v63  }
0x185: {  	s29 =	simm.s32 $0xB880  }
0x186: {  	[tilespmem:s29], [sflag:$0x1] =	stream.indirect_vreg.gather [hbm4b:s6+s3], $0x80, v3, vm0, $0xb8;
	[tilespmem:$0x10080] =	vst v63  }
0x187: {  	v3 =	vld [tilespmem:$0x30];
	_ =	sdelay $0x4  }
0x188: {  	v47 =	vshll.u32 v3, $0x3  }
0x189: {  	v3 =	vand.u32 $0x7, v3;
	v4 =	vand.u32 $0xFFFFFFC0, v47  }
0x18a: {  	v3 =	vor.u32 v3, v4  }
0x18b: {  	v4 =	vperm.xlane v3, v0;
	_ =	sdelay $0x1  }
0x18c: {  	v4 =	vadd.s32 v1, v4;
	_ =	sdelay $0x3  }
0x18d: {  	s29 =	simm.s32 $0xC080  }
0x18e: {  	[tilespmem:s29], [sflag:$0x1] =	stream.indirect_vreg.gather [hbm4b:s1+s3], $0x80, v4, vm0, $0xb8;
	[tilespmem:$0x10080] =	vst v63  }
0x18f: {  	s19 =	simm.s32 $0xC880;
	v3 =	vperm.xlane v3, v2  }
0x190: {  	[tilespmem:s19], [sflag:$0x1] =	stream.indirect_vreg.gather [hbm4b:s4+s3], $0x80, v4, vm0, $0xb8;
	[tilespmem:$0x10080] =	vst v63  }
0x191: {  	s10 =	simm.s32 $0xD080;
	v3 =	vadd.s32 v1, v3  }
0x192: {  	[tilespmem:s10], [sflag:$0x1] =	stream.indirect_vreg.gather [hbm4b:s5+s3], $0x80, v4, vm0, $0xb8;
	[tilespmem:$0x10080] =	vst v63  }
0x193: {  	s11 =	simm.s32 $0xD880  }
0x194: {  	[tilespmem:s11], [sflag:$0x1] =	stream.indirect_vreg.gather [hbm4b:s6+s3], $0x80, v4, vm0, $0xb8;
	[tilespmem:$0x10080] =	vst v63  }
0x195: {  	s12 =	simm.s32 $0xE080  }
0x196: {  	[tilespmem:s12], [sflag:$0x1] =	stream.indirect_vreg.gather [hbm4b:s1+s3], $0x80, v3, vm0, $0xb8;
	[tilespmem:$0x10080] =	vst v63  }
0x197: {  	s20 =	simm.s32 $0xE880  }
0x198: {  	[tilespmem:s20], [sflag:$0x1] =	stream.indirect_vreg.gather [hbm4b:s4+s3], $0x80, v3, vm0, $0xb8;
	[tilespmem:$0x10080] =	vst v63  }
0x199: {  	s22 =	simm.s32 $0xF080  }
0x19a: {  	[tilespmem:s22], [sflag:$0x1] =	stream.indirect_vreg.gather [hbm4b:s5+s3], $0x80, v3, vm0, $0xb8;
	[tilespmem:$0x10080] =	vst v63  }
0x19b: {  	s13 =	simm.s32 $0xF880  }
0x19c: {  	[tilespmem:s13], [sflag:$0x1] =	stream.indirect_vreg.gather [hbm4b:s6+s3], $0x80, v3, vm0, $0xb8;
	[tilespmem:$0x10080] =	vst v63  }
0x19d: {  	_ =	swait.ge [sflag:s18], $0x10000  }
0x19e: {  	[sflag:s18] =	ssyncset.done $0x0  }
0x19f: {  	s19 =	rddreg [dreg:$0xb];
	[sflag:s18] =	ssyncadd.s32 $0xFFFF0000  }
0x1a0: {  	[hbm4b:s19+s3] =	stream.linear.scatter [tilespmem:s9], [sflag:$0x2], $0x10000, $0x38;
	[tilespmem:$0x10080] =	vst v63  }
0x1a1: {  	_ =	swait.ge [sflag:s8], $0x10000  }
0x1a2: {  	[sflag:s8] =	ssyncset.done $0x0  }
0x1a3: {  	s19 =	rddreg [dreg:$0xc];
	[sflag:s8] =	ssyncadd.s32 $0xFFFF0000  }
0x1a4: {  	[tilespmem:s3], [sflag:$0x2] =	stream.linear.gather [hbm4b:s19+s3], $0x40, $0x38;
	[tilespmem:$0x10080] =	vst v63  }
0x1a5: {  	_ =	swait.ge [sflag:s8], $0x40  }
0x1a6: {  	[sflag:s8] =	ssyncset.done $0x0  }
0x1a7: {  	[sflag:s8] =	ssyncadd.s32 $0xFFFFFFC0  }
0x1a8: {  	v3 =	vld [tilespmem:$0x0];
	_ =	sdelay $0x4  }
0x1a9: {  	v48 =	vshll.u32 v3, $0x3  }
0x1aa: {  	v3 =	vand.u32 $0x7, v3;
	v4 =	vand.u32 $0xFFFFFFC0, v48  }
0x1ab: {  	v3 =	vor.u32 v3, v4  }
0x1ac: {  	v4 =	vperm.xlane v3, v0;
	_ =	sdelay $0x1  }
0x1ad: {  	v4 =	vadd.s32 v1, v4;
	_ =	sdelay $0x4  }
0x1ae: {  	[tilespmem:s9], [sflag:$0x1] =	stream.indirect_vreg.gather [hbm4b:s1+s3], $0x80, v4, vm0, $0xb8;
	[tilespmem:$0x10080] =	vst v63  }
0x1af: {  	s19 =	simm.s32 $0x880;
	v3 =	vperm.xlane v3, v2  }
0x1b0: {  	[tilespmem:s19], [sflag:$0x1] =	stream.indirect_vreg.gather [hbm4b:s4+s3], $0x80, v4, vm0, $0xb8;
	[tilespmem:$0x10080] =	vst v63  }
0x1b1: {  	s23 =	simm.s32 $0x1080;
	v3 =	vadd.s32 v1, v3  }
0x1b2: {  	[tilespmem:s23], [sflag:$0x1] =	stream.indirect_vreg.gather [hbm4b:s5+s3], $0x80, v4, vm0, $0xb8;
	[tilespmem:$0x10080] =	vst v63  }
0x1b3: {  	s19 =	simm.s32 $0x1880  }
0x1b4: {  	[tilespmem:s19], [sflag:$0x1] =	stream.indirect_vreg.gather [hbm4b:s6+s3], $0x80, v4, vm0, $0xb8;
	[tilespmem:$0x10080] =	vst v63  }
0x1b5: {  	s19 =	simm.s32 $0x2080  }
0x1b6: {  	[tilespmem:s19], [sflag:$0x1] =	stream.indirect_vreg.gather [hbm4b:s1+s3], $0x80, v3, vm0, $0xb8;
	[tilespmem:$0x10080] =	vst v63  }
0x1b7: {  	s19 =	simm.s32 $0x2880  }
0x1b8: {  	[tilespmem:s19], [sflag:$0x1] =	stream.indirect_vreg.gather [hbm4b:s4+s3], $0x80, v3, vm0, $0xb8;
	[tilespmem:$0x10080] =	vst v63  }
0x1b9: {  	s19 =	simm.s32 $0x3080  }
0x1ba: {  	[tilespmem:s19], [sflag:$0x1] =	stream.indirect_vreg.gather [hbm4b:s5+s3], $0x80, v3, vm0, $0xb8;
	[tilespmem:$0x10080] =	vst v63  }
0x1bb: {  	s19 =	simm.s32 $0x3880  }
0x1bc: {  	[tilespmem:s19], [sflag:$0x1] =	stream.indirect_vreg.gather [hbm4b:s6+s3], $0x80, v3, vm0, $0xb8;
	[tilespmem:$0x10080] =	vst v63  }
0x1bd: {  	v3 =	vld [tilespmem:$0x10];
	_ =	sdelay $0x4  }
0x1be: {  	v49 =	vshll.u32 v3, $0x3  }
0x1bf: {  	v3 =	vand.u32 $0x7, v3;
	v4 =	vand.u32 $0xFFFFFFC0, v49  }
0x1c0: {  	v3 =	vor.u32 v3, v4  }
0x1c1: {  	v4 =	vperm.xlane v3, v0;
	_ =	sdelay $0x1  }
0x1c2: {  	v4 =	vadd.s32 v1, v4;
	_ =	sdelay $0x3  }
0x1c3: {  	s25 =	simm.s32 $0x4080  }
0x1c4: {  	[tilespmem:s25], [sflag:$0x1] =	stream.indirect_vreg.gather [hbm4b:s1+s3], $0x80, v4, vm0, $0xb8;
	[tilespmem:$0x10080] =	vst v63  }
0x1c5: {  	s19 =	simm.s32 $0x4880;
	v3 =	vperm.xlane v3, v2  }
0x1c6: {  	[tilespmem:s19], [sflag:$0x1] =	stream.indirect_vreg.gather [hbm4b:s4+s3], $0x80, v4, vm0, $0xb8;
	[tilespmem:$0x10080] =	vst v63  }
0x1c7: {  	v3 =	vadd.s32 v1, v3;
	s19 =	simm.s32 $0x5080  }
0x1c8: {  	[tilespmem:s19], [sflag:$0x1] =	stream.indirect_vreg.gather [hbm4b:s5+s3], $0x80, v4, vm0, $0xb8;
	[tilespmem:$0x10080] =	vst v63  }
0x1c9: {  	s31 =	simm.s32 $0x5880  }
0x1ca: {  	[tilespmem:s31], [sflag:$0x1] =	stream.indirect_vreg.gather [hbm4b:s6+s3], $0x80, v4, vm0, $0xb8;
	[tilespmem:$0x10080] =	vst v63  }
0x1cb: {  	s0 =	simm.s32 $0x6080  }
0x1cc: {  	[tilespmem:s0], [sflag:$0x1] =	stream.indirect_vreg.gather [hbm4b:s1+s3], $0x80, v3, vm0, $0xb8;
	[tilespmem:$0x10080] =	vst v63  }
0x1cd: {  	s2 =	simm.s32 $0x6880  }
0x1ce: {  	[tilespmem:s2], [sflag:$0x1] =	stream.indirect_vreg.gather [hbm4b:s4+s3], $0x80, v3, vm0, $0xb8;
	[tilespmem:$0x10080] =	vst v63  }
0x1cf: {  	s7 =	simm.s32 $0x7080  }
0x1d0: {  	[tilespmem:s7], [sflag:$0x1] =	stream.indirect_vreg.gather [hbm4b:s5+s3], $0x80, v3, vm0, $0xb8;
	[tilespmem:$0x10080] =	vst v63  }
0x1d1: {  	s19 =	simm.s32 $0x7880  }
0x1d2: {  	[tilespmem:s19], [sflag:$0x1] =	stream.indirect_vreg.gather [hbm4b:s6+s3], $0x80, v3, vm0, $0xb8;
	[tilespmem:$0x10080] =	vst v63  }
0x1d3: {  	v3 =	vld [tilespmem:$0x20];
	_ =	sdelay $0x4  }
0x1d4: {  	v50 =	vshll.u32 v3, $0x3  }
0x1d5: {  	v3 =	vand.u32 $0x7, v3;
	v4 =	vand.u32 $0xFFFFFFC0, v50  }
0x1d6: {  	v3 =	vor.u32 v3, v4  }
0x1d7: {  	v4 =	vperm.xlane v3, v0;
	_ =	sdelay $0x1  }
0x1d8: {  	v4 =	vadd.s32 v1, v4;
	_ =	sdelay $0x3  }
0x1d9: {  	s30 =	simm.s32 $0x8080  }
0x1da: {  	[tilespmem:s30], [sflag:$0x1] =	stream.indirect_vreg.gather [hbm4b:s1+s3], $0x80, v4, vm0, $0xb8;
	[tilespmem:$0x10080] =	vst v63  }
0x1db: {  	s21 =	simm.s32 $0x8880;
	v3 =	vperm.xlane v3, v2  }
0x1dc: {  	[tilespmem:s21], [sflag:$0x1] =	stream.indirect_vreg.gather [hbm4b:s4+s3], $0x80, v4, vm0, $0xb8;
	[tilespmem:$0x10080] =	vst v63  }
0x1dd: {  	s16 =	simm.s32 $0x9080;
	v3 =	vadd.s32 v1, v3  }
0x1de: {  	[tilespmem:s16], [sflag:$0x1] =	stream.indirect_vreg.gather [hbm4b:s5+s3], $0x80, v4, vm0, $0xb8;
	[tilespmem:$0x10080] =	vst v63  }
0x1df: {  	s26 =	simm.s32 $0x9880  }
0x1e0: {  	[tilespmem:s26], [sflag:$0x1] =	stream.indirect_vreg.gather [hbm4b:s6+s3], $0x80, v4, vm0, $0xb8;
	[tilespmem:$0x10080] =	vst v63  }
0x1e1: {  	s17 =	simm.s32 $0xA080  }
0x1e2: {  	[tilespmem:s17], [sflag:$0x1] =	stream.indirect_vreg.gather [hbm4b:s1+s3], $0x80, v3, vm0, $0xb8;
	[tilespmem:$0x10080] =	vst v63  }
0x1e3: {  	s24 =	simm.s32 $0xA880  }
0x1e4: {  	[tilespmem:s24], [sflag:$0x1] =	stream.indirect_vreg.gather [hbm4b:s4+s3], $0x80, v3, vm0, $0xb8;
	[tilespmem:$0x10080] =	vst v63  }
0x1e5: {  	s15 =	simm.s32 $0xB080  }
0x1e6: {  	[tilespmem:s15], [sflag:$0x1] =	stream.indirect_vreg.gather [hbm4b:s5+s3], $0x80, v3, vm0, $0xb8;
	[tilespmem:$0x10080] =	vst v63  }
0x1e7: {  	s28 =	simm.s32 $0xB880  }
0x1e8: {  	[tilespmem:s28], [sflag:$0x1] =	stream.indirect_vreg.gather [hbm4b:s6+s3], $0x80, v3, vm0, $0xb8;
	[tilespmem:$0x10080] =	vst v63  }
0x1e9: {  	v3 =	vld [tilespmem:$0x30];
	_ =	sdelay $0x4  }
0x1ea: {  	v51 =	vshll.u32 v3, $0x3  }
0x1eb: {  	v3 =	vand.u32 $0x7, v3;
	v4 =	vand.u32 $0xFFFFFFC0, v51  }
0x1ec: {  	v3 =	vor.u32 v3, v4  }
0x1ed: {  	v4 =	vperm.xlane v3, v0;
	_ =	sdelay $0x1  }
0x1ee: {  	v4 =	vadd.s32 v1, v4;
	_ =	sdelay $0x3  }
0x1ef: {  	s29 =	simm.s32 $0xC080  }
0x1f0: {  	[tilespmem:s29], [sflag:$0x1] =	stream.indirect_vreg.gather [hbm4b:s1+s3], $0x80, v4, vm0, $0xb8;
	[tilespmem:$0x10080] =	vst v63  }
0x1f1: {  	s24 =	simm.s32 $0xC880;
	v3 =	vperm.xlane v3, v2  }
0x1f2: {  	[tilespmem:s24], [sflag:$0x1] =	stream.indirect_vreg.gather [hbm4b:s4+s3], $0x80, v4, vm0, $0xb8;
	[tilespmem:$0x10080] =	vst v63  }
0x1f3: {  	s10 =	simm.s32 $0xD080;
	v3 =	vadd.s32 v1, v3  }
0x1f4: {  	[tilespmem:s10], [sflag:$0x1] =	stream.indirect_vreg.gather [hbm4b:s5+s3], $0x80, v4, vm0, $0xb8;
	[tilespmem:$0x10080] =	vst v63  }
0x1f5: {  	s11 =	simm.s32 $0xD880  }
0x1f6: {  	[tilespmem:s11], [sflag:$0x1] =	stream.indirect_vreg.gather [hbm4b:s6+s3], $0x80, v4, vm0, $0xb8;
	[tilespmem:$0x10080] =	vst v63  }
0x1f7: {  	s12 =	simm.s32 $0xE080  }
0x1f8: {  	[tilespmem:s12], [sflag:$0x1] =	stream.indirect_vreg.gather [hbm4b:s1+s3], $0x80, v3, vm0, $0xb8;
	[tilespmem:$0x10080] =	vst v63  }
0x1f9: {  	s20 =	simm.s32 $0xE880  }
0x1fa: {  	[tilespmem:s20], [sflag:$0x1] =	stream.indirect_vreg.gather [hbm4b:s4+s3], $0x80, v3, vm0, $0xb8;
	[tilespmem:$0x10080] =	vst v63  }
0x1fb: {  	s22 =	simm.s32 $0xF080  }
0x1fc: {  	[tilespmem:s22], [sflag:$0x1] =	stream.indirect_vreg.gather [hbm4b:s5+s3], $0x80, v3, vm0, $0xb8;
	[tilespmem:$0x10080] =	vst v63  }
0x1fd: {  	s13 =	simm.s32 $0xF880  }
0x1fe: {  	[tilespmem:s13], [sflag:$0x1] =	stream.indirect_vreg.gather [hbm4b:s6+s3], $0x80, v3, vm0, $0xb8;
	[tilespmem:$0x10080] =	vst v63  }
0x1ff: {  	_ =	swait.ge [sflag:s18], $0x10000  }
0x200: {  	[sflag:s18] =	ssyncset.done $0x0  }
0x201: {  	s22 =	rddreg [dreg:$0xd];
	[sflag:s18] =	ssyncadd.s32 $0xFFFF0000  }
0x202: {  	[hbm4b:s22+s3] =	stream.linear.scatter [tilespmem:s9], [sflag:$0x2], $0x10000, $0x38;
	[tilespmem:$0x10080] =	vst v63  }
0x203: {  	_ =	swait.ge [sflag:s8], $0x10000  }
0x204: {  	[sflag:s8] =	ssyncset.done $0x0  }
0x205: {  	s22 =	rddreg [dreg:$0xe];
	[sflag:s8] =	ssyncadd.s32 $0xFFFF0000  }
0x206: {  	[tilespmem:s3], [sflag:$0x2] =	stream.linear.gather [hbm4b:s22+s3], $0x40, $0x38;
	[tilespmem:$0x10080] =	vst v63  }
0x207: {  	_ =	swait.ge [sflag:s8], $0x40  }
0x208: {  	[sflag:s8] =	ssyncset.done $0x0  }
0x209: {  	[sflag:s8] =	ssyncadd.s32 $0xFFFFFFC0  }
0x20a: {  	v3 =	vld [tilespmem:$0x0];
	_ =	sdelay $0x4  }
0x20b: {  	v52 =	vshll.u32 v3, $0x3  }
0x20c: {  	v3 =	vand.u32 $0x7, v3;
	v4 =	vand.u32 $0xFFFFFFC0, v52  }
0x20d: {  	v3 =	vor.u32 v3, v4  }
0x20e: {  	v4 =	vperm.xlane v3, v0;
	_ =	sdelay $0x1  }
0x20f: {  	v4 =	vadd.s32 v1, v4;
	_ =	sdelay $0x4  }
0x210: {  	[tilespmem:s9], [sflag:$0x1] =	stream.indirect_vreg.gather [hbm4b:s1+s3], $0x80, v4, vm0, $0xb8;
	[tilespmem:$0x10080] =	vst v63  }
0x211: {  	s22 =	simm.s32 $0x880;
	v3 =	vperm.xlane v3, v2  }
0x212: {  	[tilespmem:s22], [sflag:$0x1] =	stream.indirect_vreg.gather [hbm4b:s4+s3], $0x80, v4, vm0, $0xb8;
	[tilespmem:$0x10080] =	vst v63  }
0x213: {  	s23 =	simm.s32 $0x1080;
	v3 =	vadd.s32 v1, v3  }
0x214: {  	[tilespmem:s23], [sflag:$0x1] =	stream.indirect_vreg.gather [hbm4b:s5+s3], $0x80, v4, vm0, $0xb8;
	[tilespmem:$0x10080] =	vst v63  }
0x215: {  	s23 =	simm.s32 $0x1880  }
0x216: {  	[tilespmem:s23], [sflag:$0x1] =	stream.indirect_vreg.gather [hbm4b:s6+s3], $0x80, v4, vm0, $0xb8;
	[tilespmem:$0x10080] =	vst v63  }
0x217: {  	s22 =	simm.s32 $0x2080  }
0x218: {  	[tilespmem:s22], [sflag:$0x1] =	stream.indirect_vreg.gather [hbm4b:s1+s3], $0x80, v3, vm0, $0xb8;
	[tilespmem:$0x10080] =	vst v63  }
0x219: {  	s23 =	simm.s32 $0x2880  }
0x21a: {  	[tilespmem:s23], [sflag:$0x1] =	stream.indirect_vreg.gather [hbm4b:s4+s3], $0x80, v3, vm0, $0xb8;
	[tilespmem:$0x10080] =	vst v63  }
0x21b: {  	s22 =	simm.s32 $0x3080  }
0x21c: {  	[tilespmem:s22], [sflag:$0x1] =	stream.indirect_vreg.gather [hbm4b:s5+s3], $0x80, v3, vm0, $0xb8;
	[tilespmem:$0x10080] =	vst v63  }
0x21d: {  	s23 =	simm.s32 $0x3880  }
0x21e: {  	[tilespmem:s23], [sflag:$0x1] =	stream.indirect_vreg.gather [hbm4b:s6+s3], $0x80, v3, vm0, $0xb8;
	[tilespmem:$0x10080] =	vst v63  }
0x21f: {  	v3 =	vld [tilespmem:$0x10];
	_ =	sdelay $0x4  }
0x220: {  	v53 =	vshll.u32 v3, $0x3  }
0x221: {  	v3 =	vand.u32 $0x7, v3;
	v4 =	vand.u32 $0xFFFFFFC0, v53  }
0x222: {  	v3 =	vor.u32 v3, v4  }
0x223: {  	v4 =	vperm.xlane v3, v0;
	_ =	sdelay $0x1  }
0x224: {  	v4 =	vadd.s32 v1, v4;
	_ =	sdelay $0x3  }
0x225: {  	s25 =	simm.s32 $0x4080  }
0x226: {  	[tilespmem:s25], [sflag:$0x1] =	stream.indirect_vreg.gather [hbm4b:s1+s3], $0x80, v4, vm0, $0xb8;
	[tilespmem:$0x10080] =	vst v63  }
0x227: {  	s22 =	simm.s32 $0x4880;
	v3 =	vperm.xlane v3, v2  }
0x228: {  	[tilespmem:s22], [sflag:$0x1] =	stream.indirect_vreg.gather [hbm4b:s4+s3], $0x80, v4, vm0, $0xb8;
	[tilespmem:$0x10080] =	vst v63  }
0x229: {  	s23 =	simm.s32 $0x5080;
	v3 =	vadd.s32 v1, v3  }
0x22a: {  	[tilespmem:s23], [sflag:$0x1] =	stream.indirect_vreg.gather [hbm4b:s5+s3], $0x80, v4, vm0, $0xb8;
	[tilespmem:$0x10080] =	vst v63  }
0x22b: {  	s31 =	simm.s32 $0x5880  }
0x22c: {  	[tilespmem:s31], [sflag:$0x1] =	stream.indirect_vreg.gather [hbm4b:s6+s3], $0x80, v4, vm0, $0xb8;
	[tilespmem:$0x10080] =	vst v63  }
0x22d: {  	s0 =	simm.s32 $0x6080  }
0x22e: {  	[tilespmem:s0], [sflag:$0x1] =	stream.indirect_vreg.gather [hbm4b:s1+s3], $0x80, v3, vm0, $0xb8;
	[tilespmem:$0x10080] =	vst v63  }
0x22f: {  	s2 =	simm.s32 $0x6880  }
0x230: {  	[tilespmem:s2], [sflag:$0x1] =	stream.indirect_vreg.gather [hbm4b:s4+s3], $0x80, v3, vm0, $0xb8;
	[tilespmem:$0x10080] =	vst v63  }
0x231: {  	s7 =	simm.s32 $0x7080  }
0x232: {  	[tilespmem:s7], [sflag:$0x1] =	stream.indirect_vreg.gather [hbm4b:s5+s3], $0x80, v3, vm0, $0xb8;
	[tilespmem:$0x10080] =	vst v63  }
0x233: {  	s25 =	simm.s32 $0x7880  }
0x234: {  	[tilespmem:s25], [sflag:$0x1] =	stream.indirect_vreg.gather [hbm4b:s6+s3], $0x80, v3, vm0, $0xb8;
	[tilespmem:$0x10080] =	vst v63  }
0x235: {  	v3 =	vld [tilespmem:$0x20];
	_ =	sdelay $0x4  }
0x236: {  	v54 =	vshll.u32 v3, $0x3  }
0x237: {  	v3 =	vand.u32 $0x7, v3;
	v4 =	vand.u32 $0xFFFFFFC0, v54  }
0x238: {  	v3 =	vor.u32 v3, v4  }
0x239: {  	v4 =	vperm.xlane v3, v0;
	_ =	sdelay $0x1  }
0x23a: {  	v4 =	vadd.s32 v1, v4;
	_ =	sdelay $0x3  }
0x23b: {  	s30 =	simm.s32 $0x8080  }
0x23c: {  	[tilespmem:s30], [sflag:$0x1] =	stream.indirect_vreg.gather [hbm4b:s1+s3], $0x80, v4, vm0, $0xb8;
	[tilespmem:$0x10080] =	vst v63  }
0x23d: {  	s21 =	simm.s32 $0x8880;
	v3 =	vperm.xlane v3, v2  }
0x23e: {  	[tilespmem:s21], [sflag:$0x1] =	stream.indirect_vreg.gather [hbm4b:s4+s3], $0x80, v4, vm0, $0xb8;
	[tilespmem:$0x10080] =	vst v63  }
0x23f: {  	s16 =	simm.s32 $0x9080;
	v3 =	vadd.s32 v1, v3  }
0x240: {  	[tilespmem:s16], [sflag:$0x1] =	stream.indirect_vreg.gather [hbm4b:s5+s3], $0x80, v4, vm0, $0xb8;
	[tilespmem:$0x10080] =	vst v63  }
0x241: {  	s26 =	simm.s32 $0x9880  }
0x242: {  	[tilespmem:s26], [sflag:$0x1] =	stream.indirect_vreg.gather [hbm4b:s6+s3], $0x80, v4, vm0, $0xb8;
	[tilespmem:$0x10080] =	vst v63  }
0x243: {  	s17 =	simm.s32 $0xA080  }
0x244: {  	[tilespmem:s17], [sflag:$0x1] =	stream.indirect_vreg.gather [hbm4b:s1+s3], $0x80, v3, vm0, $0xb8;
	[tilespmem:$0x10080] =	vst v63  }
0x245: {  	s30 =	simm.s32 $0xA880  }
0x246: {  	[tilespmem:s30], [sflag:$0x1] =	stream.indirect_vreg.gather [hbm4b:s4+s3], $0x80, v3, vm0, $0xb8;
	[tilespmem:$0x10080] =	vst v63  }
0x247: {  	s15 =	simm.s32 $0xB080  }
0x248: {  	[tilespmem:s15], [sflag:$0x1] =	stream.indirect_vreg.gather [hbm4b:s5+s3], $0x80, v3, vm0, $0xb8;
	[tilespmem:$0x10080] =	vst v63  }
0x249: {  	s28 =	simm.s32 $0xB880  }
0x24a: {  	[tilespmem:s28], [sflag:$0x1] =	stream.indirect_vreg.gather [hbm4b:s6+s3], $0x80, v3, vm0, $0xb8;
	[tilespmem:$0x10080] =	vst v63  }
0x24b: {  	v3 =	vld [tilespmem:$0x30];
	_ =	sdelay $0x4  }
0x24c: {  	v55 =	vshll.u32 v3, $0x3  }
0x24d: {  	v3 =	vand.u32 $0x7, v3;
	v4 =	vand.u32 $0xFFFFFFC0, v55  }
0x24e: {  	v3 =	vor.u32 v3, v4  }
0x24f: {  	v4 =	vperm.xlane v3, v0;
	_ =	sdelay $0x1  }
0x250: {  	v4 =	vadd.s32 v1, v4;
	_ =	sdelay $0x3  }
0x251: {  	s29 =	simm.s32 $0xC080  }
0x252: {  	[tilespmem:s29], [sflag:$0x1] =	stream.indirect_vreg.gather [hbm4b:s1+s3], $0x80, v4, vm0, $0xb8;
	[tilespmem:$0x10080] =	vst v63  }
0x253: {  	s19 =	simm.s32 $0xC880;
	v3 =	vperm.xlane v3, v2  }
0x254: {  	[tilespmem:s19], [sflag:$0x1] =	stream.indirect_vreg.gather [hbm4b:s4+s3], $0x80, v4, vm0, $0xb8;
	[tilespmem:$0x10080] =	vst v63  }
0x255: {  	s24 =	simm.s32 $0xD080;
	v3 =	vadd.s32 v1, v3  }
0x256: {  	[tilespmem:s24], [sflag:$0x1] =	stream.indirect_vreg.gather [hbm4b:s5+s3], $0x80, v4, vm0, $0xb8;
	[tilespmem:$0x10080] =	vst v63  }
0x257: {  	s10 =	simm.s32 $0xD880  }
0x258: {  	[tilespmem:s10], [sflag:$0x1] =	stream.indirect_vreg.gather [hbm4b:s6+s3], $0x80, v4, vm0, $0xb8;
	[tilespmem:$0x10080] =	vst v63  }
0x259: {  	s11 =	simm.s32 $0xE080  }
0x25a: {  	[tilespmem:s11], [sflag:$0x1] =	stream.indirect_vreg.gather [hbm4b:s1+s3], $0x80, v3, vm0, $0xb8;
	[tilespmem:$0x10080] =	vst v63  }
0x25b: {  	s12 =	simm.s32 $0xE880  }
0x25c: {  	[tilespmem:s12], [sflag:$0x1] =	stream.indirect_vreg.gather [hbm4b:s4+s3], $0x80, v3, vm0, $0xb8;
	[tilespmem:$0x10080] =	vst v63  }
0x25d: {  	s20 =	simm.s32 $0xF080  }
0x25e: {  	[tilespmem:s20], [sflag:$0x1] =	stream.indirect_vreg.gather [hbm4b:s5+s3], $0x80, v3, vm0, $0xb8;
	[tilespmem:$0x10080] =	vst v63  }
0x25f: {  	s13 =	simm.s32 $0xF880  }
0x260: {  	[tilespmem:s13], [sflag:$0x1] =	stream.indirect_vreg.gather [hbm4b:s6+s3], $0x80, v3, vm0, $0xb8;
	[tilespmem:$0x10080] =	vst v63  }
0x261: {  	_ =	swait.ge [sflag:s18], $0x10000  }
0x262: {  	[sflag:s18] =	ssyncset.done $0x0  }
0x263: {  	s24 =	rddreg [dreg:$0xf];
	[sflag:s18] =	ssyncadd.s32 $0xFFFF0000  }
0x264: {  	[hbm4b:s24+s3] =	stream.linear.scatter [tilespmem:s9], [sflag:$0x2], $0x10000, $0x38;
	[tilespmem:$0x10080] =	vst v63  }
0x265: {  	_ =	swait.ge [sflag:s8], $0x10000  }
0x266: {  	[sflag:s8] =	ssyncset.done $0x0  }
0x267: {  	s28 =	rddreg [dreg:$0x10];
	[sflag:s8] =	ssyncadd.s32 $0xFFFF0000  }
0x268: {  	[tilespmem:s3], [sflag:$0x2] =	stream.linear.gather [hbm4b:s28+s3], $0x40, $0x38;
	[tilespmem:$0x10080] =	vst v63  }
0x269: {  	_ =	swait.ge [sflag:s8], $0x40  }
0x26a: {  	[sflag:s8] =	ssyncset.done $0x0  }
0x26b: {  	[sflag:s8] =	ssyncadd.s32 $0xFFFFFFC0  }
0x26c: {  	v3 =	vld [tilespmem:$0x0];
	_ =	sdelay $0x4  }
0x26d: {  	v56 =	vshll.u32 v3, $0x3  }
0x26e: {  	v3 =	vand.u32 $0x7, v3;
	v4 =	vand.u32 $0xFFFFFFC0, v56  }
0x26f: {  	v3 =	vor.u32 v3, v4  }
0x270: {  	v4 =	vperm.xlane v3, v0;
	_ =	sdelay $0x1  }
0x271: {  	v4 =	vadd.s32 v1, v4;
	_ =	sdelay $0x4  }
0x272: {  	[tilespmem:s9], [sflag:$0x1] =	stream.indirect_vreg.gather [hbm4b:s1+s3], $0x80, v4, vm0, $0xb8;
	[tilespmem:$0x10080] =	vst v63  }
0x273: {  	s30 =	simm.s32 $0x880;
	v3 =	vperm.xlane v3, v2  }
0x274: {  	[tilespmem:s30], [sflag:$0x1] =	stream.indirect_vreg.gather [hbm4b:s4+s3], $0x80, v4, vm0, $0xb8;
	[tilespmem:$0x10080] =	vst v63  }
0x275: {  	s11 =	simm.s32 $0x1080;
	v3 =	vadd.s32 v1, v3  }
0x276: {  	[tilespmem:s11], [sflag:$0x1] =	stream.indirect_vreg.gather [hbm4b:s5+s3], $0x80, v4, vm0, $0xb8;
	[tilespmem:$0x10080] =	vst v63  }
0x277: {  	s13 =	simm.s32 $0x1880  }
0x278: {  	[tilespmem:s13], [sflag:$0x1] =	stream.indirect_vreg.gather [hbm4b:s6+s3], $0x80, v4, vm0, $0xb8;
	[tilespmem:$0x10080] =	vst v63  }
0x279: {  	s19 =	simm.s32 $0x2080  }
0x27a: {  	[tilespmem:s19], [sflag:$0x1] =	stream.indirect_vreg.gather [hbm4b:s1+s3], $0x80, v3, vm0, $0xb8;
	[tilespmem:$0x10080] =	vst v63  }
0x27b: {  	s20 =	simm.s32 $0x2880  }
0x27c: {  	[tilespmem:s20], [sflag:$0x1] =	stream.indirect_vreg.gather [hbm4b:s4+s3], $0x80, v3, vm0, $0xb8;
	[tilespmem:$0x10080] =	vst v63  }
0x27d: {  	s24 =	simm.s32 $0x3080  }
0x27e: {  	[tilespmem:s24], [sflag:$0x1] =	stream.indirect_vreg.gather [hbm4b:s5+s3], $0x80, v3, vm0, $0xb8;
	[tilespmem:$0x10080] =	vst v63  }
0x27f: {  	s28 =	simm.s32 $0x3880  }
0x280: {  	[tilespmem:s28], [sflag:$0x1] =	stream.indirect_vreg.gather [hbm4b:s6+s3], $0x80, v3, vm0, $0xb8;
	[tilespmem:$0x10080] =	vst v63  }
0x281: {  	v3 =	vld [tilespmem:$0x10];
	_ =	sdelay $0x4  }
0x282: {  	v57 =	vshll.u32 v3, $0x3  }
0x283: {  	v3 =	vand.u32 $0x7, v3;
	v4 =	vand.u32 $0xFFFFFFC0, v57  }
0x284: {  	v3 =	vor.u32 v3, v4  }
0x285: {  	v4 =	vperm.xlane v3, v0;
	_ =	sdelay $0x1  }
0x286: {  	v4 =	vadd.s32 v1, v4;
	_ =	sdelay $0x3  }
0x287: {  	s13 =	simm.s32 $0x4080  }
0x288: {  	[tilespmem:s13], [sflag:$0x1] =	stream.indirect_vreg.gather [hbm4b:s1+s3], $0x80, v4, vm0, $0xb8;
	[tilespmem:$0x10080] =	vst v63  }
0x289: {  	s19 =	simm.s32 $0x4880;
	v3 =	vperm.xlane v3, v2  }
0x28a: {  	[tilespmem:s19], [sflag:$0x1] =	stream.indirect_vreg.gather [hbm4b:s4+s3], $0x80, v4, vm0, $0xb8;
	[tilespmem:$0x10080] =	vst v63  }
0x28b: {  	s20 =	simm.s32 $0x5080;
	v3 =	vadd.s32 v1, v3  }
0x28c: {  	[tilespmem:s20], [sflag:$0x1] =	stream.indirect_vreg.gather [hbm4b:s5+s3], $0x80, v4, vm0, $0xb8;
	[tilespmem:$0x10080] =	vst v63  }
0x28d: {  	s23 =	simm.s32 $0x5880  }
0x28e: {  	[tilespmem:s23], [sflag:$0x1] =	stream.indirect_vreg.gather [hbm4b:s6+s3], $0x80, v4, vm0, $0xb8;
	[tilespmem:$0x10080] =	vst v63  }
0x28f: {  	s0 =	simm.s32 $0x6080  }
0x290: {  	[tilespmem:s0], [sflag:$0x1] =	stream.indirect_vreg.gather [hbm4b:s1+s3], $0x80, v3, vm0, $0xb8;
	[tilespmem:$0x10080] =	vst v63  }
0x291: {  	s2 =	simm.s32 $0x6880  }
0x292: {  	[tilespmem:s2], [sflag:$0x1] =	stream.indirect_vreg.gather [hbm4b:s4+s3], $0x80, v3, vm0, $0xb8;
	[tilespmem:$0x10080] =	vst v63  }
0x293: {  	s7 =	simm.s32 $0x7080  }
0x294: {  	[tilespmem:s7], [sflag:$0x1] =	stream.indirect_vreg.gather [hbm4b:s5+s3], $0x80, v3, vm0, $0xb8;
	[tilespmem:$0x10080] =	vst v63  }
0x295: {  	s24 =	simm.s32 $0x7880  }
0x296: {  	[tilespmem:s24], [sflag:$0x1] =	stream.indirect_vreg.gather [hbm4b:s6+s3], $0x80, v3, vm0, $0xb8;
	[tilespmem:$0x10080] =	vst v63  }
0x297: {  	v3 =	vld [tilespmem:$0x20];
	_ =	sdelay $0x4  }
0x298: {  	v58 =	vshll.u32 v3, $0x3  }
0x299: {  	v3 =	vand.u32 $0x7, v3;
	v4 =	vand.u32 $0xFFFFFFC0, v58  }
0x29a: {  	v3 =	vor.u32 v3, v4  }
0x29b: {  	v4 =	vperm.xlane v3, v0;
	_ =	sdelay $0x1  }
0x29c: {  	v4 =	vadd.s32 v1, v4;
	_ =	sdelay $0x3  }
0x29d: {  	s22 =	simm.s32 $0x8080  }
0x29e: {  	[tilespmem:s22], [sflag:$0x1] =	stream.indirect_vreg.gather [hbm4b:s1+s3], $0x80, v4, vm0, $0xb8;
	[tilespmem:$0x10080] =	vst v63  }
0x29f: {  	s25 =	simm.s32 $0x8880;
	v3 =	vperm.xlane v3, v2  }
0x2a0: {  	[tilespmem:s25], [sflag:$0x1] =	stream.indirect_vreg.gather [hbm4b:s4+s3], $0x80, v4, vm0, $0xb8;
	[tilespmem:$0x10080] =	vst v63  }
0x2a1: {  	s31 =	simm.s32 $0x9080;
	v3 =	vadd.s32 v1, v3  }
0x2a2: {  	[tilespmem:s31], [sflag:$0x1] =	stream.indirect_vreg.gather [hbm4b:s5+s3], $0x80, v4, vm0, $0xb8;
	[tilespmem:$0x10080] =	vst v63  }
0x2a3: {  	s31 =	simm.s32 $0x9880  }
0x2a4: {  	[tilespmem:s31], [sflag:$0x1] =	stream.indirect_vreg.gather [hbm4b:s6+s3], $0x80, v4, vm0, $0xb8;
	[tilespmem:$0x10080] =	vst v63  }
0x2a5: {  	s17 =	simm.s32 $0xA080  }
0x2a6: {  	[tilespmem:s17], [sflag:$0x1] =	stream.indirect_vreg.gather [hbm4b:s1+s3], $0x80, v3, vm0, $0xb8;
	[tilespmem:$0x10080] =	vst v63  }
0x2a7: {  	s20 =	simm.s32 $0xA880  }
0x2a8: {  	[tilespmem:s20], [sflag:$0x1] =	stream.indirect_vreg.gather [hbm4b:s4+s3], $0x80, v3, vm0, $0xb8;
	[tilespmem:$0x10080] =	vst v63  }
0x2a9: {  	s21 =	simm.s32 $0xB080  }
0x2aa: {  	[tilespmem:s21], [sflag:$0x1] =	stream.indirect_vreg.gather [hbm4b:s5+s3], $0x80, v3, vm0, $0xb8;
	[tilespmem:$0x10080] =	vst v63  }
0x2ab: {  	s21 =	simm.s32 $0xB880  }
0x2ac: {  	[tilespmem:s21], [sflag:$0x1] =	stream.indirect_vreg.gather [hbm4b:s6+s3], $0x80, v3, vm0, $0xb8;
	[tilespmem:$0x10080] =	vst v63  }
0x2ad: {  	v3 =	vld [tilespmem:$0x30];
	_ =	sdelay $0x4  }
0x2ae: {  	v59 =	vshll.u32 v3, $0x3  }
0x2af: {  	v3 =	vand.u32 $0x7, v3;
	v4 =	vand.u32 $0xFFFFFFC0, v59  }
0x2b0: {  	v3 =	vor.u32 v3, v4  }
0x2b1: {  	v4 =	vperm.xlane v3, v0;
	_ =	sdelay $0x1  }
0x2b2: {  	v4 =	vadd.s32 v1, v4;
	_ =	sdelay $0x3  }
0x2b3: {  	s22 =	simm.s32 $0xC080  }
0x2b4: {  	[tilespmem:s22], [sflag:$0x1] =	stream.indirect_vreg.gather [hbm4b:s1+s3], $0x80, v4, vm0, $0xb8;
	[tilespmem:$0x10080] =	vst v63  }
0x2b5: {  	s23 =	simm.s32 $0xC880;
	v3 =	vperm.xlane v3, v2  }
0x2b6: {  	[tilespmem:s23], [sflag:$0x1] =	stream.indirect_vreg.gather [hbm4b:s4+s3], $0x80, v4, vm0, $0xb8;
	[tilespmem:$0x10080] =	vst v63  }
0x2b7: {  	s16 =	simm.s32 $0xD080;
	v3 =	vadd.s32 v1, v3  }
0x2b8: {  	[tilespmem:s16], [sflag:$0x1] =	stream.indirect_vreg.gather [hbm4b:s5+s3], $0x80, v4, vm0, $0xb8;
	[tilespmem:$0x10080] =	vst v63  }
0x2b9: {  	s26 =	simm.s32 $0xD880  }
0x2ba: {  	[tilespmem:s26], [sflag:$0x1] =	stream.indirect_vreg.gather [hbm4b:s6+s3], $0x80, v4, vm0, $0xb8;
	[tilespmem:$0x10080] =	vst v63  }
0x2bb: {  	s15 =	simm.s32 $0xE080  }
0x2bc: {  	[tilespmem:s15], [sflag:$0x1] =	stream.indirect_vreg.gather [hbm4b:s1+s3], $0x80, v3, vm0, $0xb8;
	[tilespmem:$0x10080] =	vst v63  }
0x2bd: {  	s12 =	simm.s32 $0xE880  }
0x2be: {  	[tilespmem:s12], [sflag:$0x1] =	stream.indirect_vreg.gather [hbm4b:s4+s3], $0x80, v3, vm0, $0xb8;
	[tilespmem:$0x10080] =	vst v63  }
0x2bf: {  	s29 =	simm.s32 $0xF080  }
0x2c0: {  	[tilespmem:s29], [sflag:$0x1] =	stream.indirect_vreg.gather [hbm4b:s5+s3], $0x80, v3, vm0, $0xb8;
	[tilespmem:$0x10080] =	vst v63  }
0x2c1: {  	s26 =	simm.s32 $0xF880  }
0x2c2: {  	[tilespmem:s26], [sflag:$0x1] =	stream.indirect_vreg.gather [hbm4b:s6+s3], $0x80, v3, vm0, $0xb8;
	[tilespmem:$0x10080] =	vst v63  }
0x2c3: {  	_ =	swait.ge [sflag:s18], $0x10000  }
0x2c4: {  	[sflag:s18] =	ssyncset.done $0x0  }
0x2c5: {  	s29 =	rddreg [dreg:$0x11];
	[sflag:s18] =	ssyncadd.s32 $0xFFFF0000  }
0x2c6: {  	[hbm4b:s29+s3] =	stream.linear.scatter [tilespmem:s9], [sflag:$0x2], $0x10000, $0x38;
	[tilespmem:$0x10080] =	vst v63  }
0x2c7: {  	_ =	swait.ge [sflag:s8], $0x10000  }
0x2c8: {  	[sflag:s8] =	ssyncset.done $0x0  }
0x2c9: {  	s29 =	rddreg [dreg:$0x12];
	[sflag:s8] =	ssyncadd.s32 $0xFFFF0000  }
0x2ca: {  	[tilespmem:s3], [sflag:$0x2] =	stream.linear.gather [hbm4b:s29+s3], $0x40, $0x38;
	[tilespmem:$0x10080] =	vst v63  }
0x2cb: {  	_ =	swait.ge [sflag:s8], $0x40  }
0x2cc: {  	[sflag:s8] =	ssyncset.done $0x0  }
0x2cd: {  	[sflag:s8] =	ssyncadd.s32 $0xFFFFFFC0  }
0x2ce: {  	v3 =	vld [tilespmem:$0x0];
	_ =	sdelay $0x4  }
0x2cf: {  	v60 =	vshll.u32 v3, $0x3  }
0x2d0: {  	v3 =	vand.u32 $0x7, v3;
	v4 =	vand.u32 $0xFFFFFFC0, v60  }
0x2d1: {  	v3 =	vor.u32 v3, v4  }
0x2d2: {  	v4 =	vperm.xlane v3, v0;
	_ =	sdelay $0x1  }
0x2d3: {  	v4 =	vadd.s32 v1, v4;
	_ =	sdelay $0x4  }
0x2d4: {  	[tilespmem:s9], [sflag:$0x1] =	stream.indirect_vreg.gather [hbm4b:s1+s3], $0x80, v4, vm0, $0xb8;
	[tilespmem:$0x10080] =	vst v63  }
0x2d5: {  	s29 =	simm.s32 $0x880;
	v3 =	vperm.xlane v3, v2  }
0x2d6: {  	[tilespmem:s29], [sflag:$0x1] =	stream.indirect_vreg.gather [hbm4b:s4+s3], $0x80, v4, vm0, $0xb8;
	[tilespmem:$0x10080] =	vst v63  }
0x2d7: {  	s11 =	simm.s32 $0x1080;
	v3 =	vadd.s32 v1, v3  }
0x2d8: {  	[tilespmem:s11], [sflag:$0x1] =	stream.indirect_vreg.gather [hbm4b:s5+s3], $0x80, v4, vm0, $0xb8;
	[tilespmem:$0x10080] =	vst v63  }
0x2d9: {  	s30 =	simm.s32 $0x1880  }
0x2da: {  	[tilespmem:s30], [sflag:$0x1] =	stream.indirect_vreg.gather [hbm4b:s6+s3], $0x80, v4, vm0, $0xb8;
	[tilespmem:$0x10080] =	vst v63  }
0x2db: {  	s19 =	simm.s32 $0x2080  }
0x2dc: {  	[tilespmem:s19], [sflag:$0x1] =	stream.indirect_vreg.gather [hbm4b:s1+s3], $0x80, v3, vm0, $0xb8;
	[tilespmem:$0x10080] =	vst v63  }
0x2dd: {  	s29 =	simm.s32 $0x2880  }
0x2de: {  	[tilespmem:s29], [sflag:$0x1] =	stream.indirect_vreg.gather [hbm4b:s4+s3], $0x80, v3, vm0, $0xb8;
	[tilespmem:$0x10080] =	vst v63  }
0x2df: {  	s30 =	simm.s32 $0x3080  }
0x2e0: {  	[tilespmem:s30], [sflag:$0x1] =	stream.indirect_vreg.gather [hbm4b:s5+s3], $0x80, v3, vm0, $0xb8;
	[tilespmem:$0x10080] =	vst v63  }
0x2e1: {  	s19 =	simm.s32 $0x3880  }
0x2e2: {  	[tilespmem:s19], [sflag:$0x1] =	stream.indirect_vreg.gather [hbm4b:s6+s3], $0x80, v3, vm0, $0xb8;
	[tilespmem:$0x10080] =	vst v63  }
0x2e3: {  	v3 =	vld [tilespmem:$0x10];
	_ =	sdelay $0x4  }
0x2e4: {  	v61 =	vshll.u32 v3, $0x3  }
0x2e5: {  	v3 =	vand.u32 $0x7, v3;
	v4 =	vand.u32 $0xFFFFFFC0, v61  }
0x2e6: {  	v3 =	vor.u32 v3, v4  }
0x2e7: {  	v4 =	vperm.xlane v3, v0;
	_ =	sdelay $0x1  }
0x2e8: {  	v4 =	vadd.s32 v1, v4;
	_ =	sdelay $0x3  }
0x2e9: {  	s28 =	simm.s32 $0x4080  }
0x2ea: {  	[tilespmem:s28], [sflag:$0x1] =	stream.indirect_vreg.gather [hbm4b:s1+s3], $0x80, v4, vm0, $0xb8;
	[tilespmem:$0x10080] =	vst v63  }
0x2eb: {  	s29 =	simm.s32 $0x4880;
	v3 =	vperm.xlane v3, v2  }
0x2ec: {  	[tilespmem:s29], [sflag:$0x1] =	stream.indirect_vreg.gather [hbm4b:s4+s3], $0x80, v4, vm0, $0xb8;
	[tilespmem:$0x10080] =	vst v63  }
0x2ed: {  	s30 =	simm.s32 $0x5080;
	v3 =	vadd.s32 v1, v3  }
0x2ee: {  	[tilespmem:s30], [sflag:$0x1] =	stream.indirect_vreg.gather [hbm4b:s5+s3], $0x80, v4, vm0, $0xb8;
	[tilespmem:$0x10080] =	vst v63  }
0x2ef: {  	s10 =	simm.s32 $0x5880  }
0x2f0: {  	[tilespmem:s10], [sflag:$0x1] =	stream.indirect_vreg.gather [hbm4b:s6+s3], $0x80, v4, vm0, $0xb8;
	[tilespmem:$0x10080] =	vst v63  }
0x2f1: {  	s13 =	simm.s32 $0x6080  }
0x2f2: {  	[tilespmem:s13], [sflag:$0x1] =	stream.indirect_vreg.gather [hbm4b:s1+s3], $0x80, v3, vm0, $0xb8;
	[tilespmem:$0x10080] =	vst v63  }
0x2f3: {  	s0 =	simm.s32 $0x6880  }
0x2f4: {  	[tilespmem:s0], [sflag:$0x1] =	stream.indirect_vreg.gather [hbm4b:s4+s3], $0x80, v3, vm0, $0xb8;
	[tilespmem:$0x10080] =	vst v63  }
0x2f5: {  	s2 =	simm.s32 $0x7080  }
0x2f6: {  	[tilespmem:s2], [sflag:$0x1] =	stream.indirect_vreg.gather [hbm4b:s5+s3], $0x80, v3, vm0, $0xb8;
	[tilespmem:$0x10080] =	vst v63  }
0x2f7: {  	s19 =	simm.s32 $0x7880  }
0x2f8: {  	[tilespmem:s19], [sflag:$0x1] =	stream.indirect_vreg.gather [hbm4b:s6+s3], $0x80, v3, vm0, $0xb8;
	[tilespmem:$0x10080] =	vst v63  }
0x2f9: {  	v3 =	vld [tilespmem:$0x20];
	_ =	sdelay $0x4  }
0x2fa: {  	v62 =	vshll.u32 v3, $0x3  }
0x2fb: {  	v3 =	vand.u32 $0x7, v3;
	v4 =	vand.u32 $0xFFFFFFC0, v62  }
0x2fc: {  	v3 =	vor.u32 v3, v4  }
0x2fd: {  	v4 =	vperm.xlane v3, v0;
	_ =	sdelay $0x1  }
0x2fe: {  	v4 =	vadd.s32 v1, v4;
	_ =	sdelay $0x3  }
0x2ff: {  	s7 =	simm.s32 $0x8080  }
0x300: {  	[tilespmem:s7], [sflag:$0x1] =	stream.indirect_vreg.gather [hbm4b:s1+s3], $0x80, v4, vm0, $0xb8;
	[tilespmem:$0x10080] =	vst v63  }
0x301: {  	s24 =	simm.s32 $0x8880;
	v3 =	vperm.xlane v3, v2  }
0x302: {  	[tilespmem:s24], [sflag:$0x1] =	stream.indirect_vreg.gather [hbm4b:s4+s3], $0x80, v4, vm0, $0xb8;
	[tilespmem:$0x10080] =	vst v63  }
0x303: {  	s25 =	simm.s32 $0x9080;
	v3 =	vadd.s32 v1, v3  }
0x304: {  	[tilespmem:s25], [sflag:$0x1] =	stream.indirect_vreg.gather [hbm4b:s5+s3], $0x80, v4, vm0, $0xb8;
	[tilespmem:$0x10080] =	vst v63  }
0x305: {  	s31 =	simm.s32 $0x9880  }
0x306: {  	[tilespmem:s31], [sflag:$0x1] =	stream.indirect_vreg.gather [hbm4b:s6+s3], $0x80, v4, vm0, $0xb8;
	[tilespmem:$0x10080] =	vst v63  }
0x307: {  	s17 =	simm.s32 $0xA080  }
0x308: {  	[tilespmem:s17], [sflag:$0x1] =	stream.indirect_vreg.gather [hbm4b:s1+s3], $0x80, v3, vm0, $0xb8;
	[tilespmem:$0x10080] =	vst v63  }
0x309: {  	s28 =	simm.s32 $0xA880  }
0x30a: {  	[tilespmem:s28], [sflag:$0x1] =	stream.indirect_vreg.gather [hbm4b:s4+s3], $0x80, v3, vm0, $0xb8;
	[tilespmem:$0x10080] =	vst v63  }
0x30b: {  	s20 =	simm.s32 $0xB080  }
0x30c: {  	[tilespmem:s20], [sflag:$0x1] =	stream.indirect_vreg.gather [hbm4b:s5+s3], $0x80, v3, vm0, $0xb8;
	[tilespmem:$0x10080] =	vst v63  }
0x30d: {  	s21 =	simm.s32 $0xB880  }
0x30e: {  	[tilespmem:s21], [sflag:$0x1] =	stream.indirect_vreg.gather [hbm4b:s6+s3], $0x80, v3, vm0, $0xb8;
	[tilespmem:$0x10080] =	vst v63  }
0x30f: {  	v3 =	vld [tilespmem:$0x30];
	_ =	sdelay $0x4  }
0x310: {  	v63 =	vshll.u32 v3, $0x3  }
0x311: {  	v3 =	vand.u32 $0x7, v3;
	v4 =	vand.u32 $0xFFFFFFC0, v63  }
0x312: {  	v3 =	vor.u32 v3, v4  }
0x313: {  	v4 =	vperm.xlane v3, v0;
	_ =	sdelay $0x1  }
0x314: {  	v4 =	vadd.s32 v1, v4;
	_ =	sdelay $0x3  }
0x315: {  	s29 =	simm.s32 $0xC080  }
0x316: {  	[tilespmem:s29], [sflag:$0x1] =	stream.indirect_vreg.gather [hbm4b:s1+s3], $0x80, v4, vm0, $0xb8;
	[tilespmem:$0x10080] =	vst v63  }
0x317: {  	s30 =	simm.s32 $0xC880;
	v3 =	vperm.xlane v3, v2  }
0x318: {  	[tilespmem:s30], [sflag:$0x1] =	stream.indirect_vreg.gather [hbm4b:s4+s3], $0x80, v4, vm0, $0xb8;
	[tilespmem:$0x10080] =	vst v63  }
0x319: {  	s23 =	simm.s32 $0xD080;
	v3 =	vadd.s32 v1, v3  }
0x31a: {  	[tilespmem:s23], [sflag:$0x1] =	stream.indirect_vreg.gather [hbm4b:s5+s3], $0x80, v4, vm0, $0xb8;
	[tilespmem:$0x10080] =	vst v63  }
0x31b: {  	s16 =	simm.s32 $0xD880  }
0x31c: {  	[tilespmem:s16], [sflag:$0x1] =	stream.indirect_vreg.gather [hbm4b:s6+s3], $0x80, v4, vm0, $0xb8;
	[tilespmem:$0x10080] =	vst v63  }
0x31d: {  	s22 =	simm.s32 $0xE080  }
0x31e: {  	[tilespmem:s22], [sflag:$0x1] =	stream.indirect_vreg.gather [hbm4b:s1+s3], $0x80, v3, vm0, $0xb8;
	[tilespmem:$0x10080] =	vst v63  }
0x31f: {  	s15 =	simm.s32 $0xE880  }
0x320: {  	[tilespmem:s15], [sflag:$0x1] =	stream.indirect_vreg.gather [hbm4b:s4+s3], $0x80, v3, vm0, $0xb8;
	[tilespmem:$0x10080] =	vst v63  }
0x321: {  	s12 =	simm.s32 $0xF080  }
0x322: {  	[tilespmem:s12], [sflag:$0x1] =	stream.indirect_vreg.gather [hbm4b:s5+s3], $0x80, v3, vm0, $0xb8;
	[tilespmem:$0x10080] =	vst v63  }
0x323: {  	s26 =	simm.s32 $0xF880  }
0x324: {  	[tilespmem:s26], [sflag:$0x1] =	stream.indirect_vreg.gather [hbm4b:s6+s3], $0x80, v3, vm0, $0xb8;
	[tilespmem:$0x10080] =	vst v63  }
0x325: {  	_ =	swait.ge [sflag:s18], $0x10000  }
0x326: {  	p0 =	sne.s32 s14, $0x1;
	[sflag:s18] =	ssyncset.done $0x0  }
.Ltmp0:
0x327: {  	s31 =	rddreg [dreg:$0x13];
	[sflag:s18] =	ssyncadd.s32 $0xFFFF0000;
	(pc) =	sbr.rel @p0 .LBB2_1-.Ltmp0, $4  }
0x328: {  	[hbm4b:s31+s3] =	stream.linear.scatter [tilespmem:s9], [sflag:$0x2], $0x10000, $0x38;
	[tilespmem:$0x10080] =	vst v63  }
0x329: {  	_ =	swait.ge [sflag:s8], $0x10000  }
0x32a: {  	[sflag:s8] =	ssyncset.done $0x0  }
0x32b: {  	s14 =	sadd.s32 $0xFFFFFFFF, s14;
	[sflag:s8] =	ssyncadd.s32 $0xFFFF0000  }
0x32c: {  	_ =	sfence.sel $0x180000  }
0x32d: {  	[bflag:$0x0] =	sbarrier.arrive $0xFFFF  }
0x32e: {  	_ =	strace $0x90000047  }
0x32f: {  	s0 =	stileid.u32;
	[bflag:$0x2] =	sbarrier.arrive $0xFFFF  }
0x330: {  	p0 =	sne.s32 s0, $0x0;
	s0 =	rddreg [dreg:$0x3]  }
0x331: {  	s0 =	sadd.s32 @!p0 $0x100000, s0  }
0x332: {  	[sflag:s0] =	ssyncadd.tile.s32 @!p0 $0x1;
	_ =	shalt  }
.Lfunc_end2:
_tile_overlayer_lowered:
.L_overlay_start_2:
0x333: {  	(tag) =	ssettag $0x2  }
0x334: {  	s0 =	rddreg [dreg:$0x0];
	s2 =	stileid.u32  }
0x335: {  	s1 =	rddreg [dreg:$0x1];
	p0 =	sne.s32 s2, $0x0  }
0x336: {  	s3 =	rddreg [dreg:$0x2];
	[bflag:$0x3] =	sbarrier.arrive $0xFFFF;
	s2 =	simm.s32 @!p0 $0x1C02  }
0x337: {  	[timem:s3], [sflag:s2] =	dma.local @!p0 [hbm:s0], s1  }
0x338: {  	s0 =	simm.s32 @!p0 $0x2  }
0x339: {  	_ =	swait.ge @!p0 [sflag:s0], s1  }
0x33a: {  	s1 =	ssub.s32 @!p0 $0x0, s1;
	[sflag:s0] =	ssyncset.done @!p0 $0x0  }
0x33b: {  	[sflag:s0] =	ssyncadd.s32 @!p0 s1  }
0x33c: {  	[bflag:$0x3] =	sbarrier.arrive $0xFFFF  }
0x33d: {  	_ =	shalt  }

</sc_bundles>
